<compile_context>
chip_gen: v7x
topology: tpu7x:2x2x1
jax: 0.10.2.dev20260603
libtpu: 0.0.44.dev20260713+nightly
codegen_flags: <defaults>
</compile_context>

<pallas_src>
import jax
import jax.numpy as jnp
from jax import lax
from jax.experimental import pallas as pl
from jax.experimental.pallas import tpu as pltpu
from jax.experimental.pallas import tpu_sc as plsc

_B = 16384
_H = 200
_NUM_WORKERS = 32
_COLS_W = _B // _NUM_WORKERS
_BCOLS = 128
_N_BLOCKS = _COLS_W // _BCOLS
_LANES = 16
_NSUB = _BCOLS // _LANES


def _subtract_in_place(dst3d):
    def _body(l, carry):
        row = dst3d.at[l].at[0]
        for j in range(_NSUB):
            v = row[pl.ds(j * _LANES, _LANES)]
            row[pl.ds(j * _LANES, _LANES)] = v - v
        return carry

    lax.fori_loop(0, _H, _body, 0)


def _witness_body(ids_hbm, tab_hbm, out_hbm,
                  idx2d_v0, idx2d_v1, rows3d_v0, rows3d_v1,
                  gsem0, gsem1, osem0, osem1):
    wid = lax.axis_index("s") * 2 + lax.axis_index("c")
    cbase = wid * _COLS_W
    idx2d_v = (idx2d_v0, idx2d_v1)
    rows3d_v = (rows3d_v0, rows3d_v1)
    gsem = (gsem0, gsem1)
    osem = (osem0, osem1)
    tab_1d = tab_hbm.at[0]

    def _out_slice(blk):
        return out_hbm.at[:, :, pl.ds(cbase + blk * _BCOLS, _BCOLS)]

    def _stage_and_fire(blk):
        b = blk % 2
        pltpu.sync_copy(ids_hbm.at[:, pl.ds(cbase + blk * _BCOLS, _BCOLS)],
                        idx2d_v[b])

        def _fire(l, carry):
            pltpu.async_copy(tab_1d.at[idx2d_v[b].at[l]],
                             rows3d_v[b].at[l].at[0], gsem[b])
            return carry

        lax.fori_loop(0, _H, _fire, 0)

    def _drain_gathers(blk):
        b = blk % 2
        pltpu.make_async_copy(_out_slice(blk), rows3d_v[b], gsem[b]).wait()

    _stage_and_fire(0)
    out_cp = {}

    for blk in range(_N_BLOCKS):
        b = blk % 2
        if blk + 1 < _N_BLOCKS:
            if blk - 1 >= 0:
                out_cp[blk - 1].wait()
            _stage_and_fire(blk + 1)
        _drain_gathers(blk)
        _subtract_in_place(rows3d_v[b])
        out_cp[blk] = pltpu.async_copy(rows3d_v[b], _out_slice(blk), osem[b])
    out_cp[_N_BLOCKS - 2].wait()
    out_cp[_N_BLOCKS - 1].wait()


def kernel(input_ids, witness_ids, witness_weight):
    del input_ids
    ids_t = witness_ids.T
    tab2 = witness_weight.T
    mesh = plsc.VectorSubcoreMesh(core_axis_name="c", subcore_axis_name="s")
    out_t = pl.kernel(
        _witness_body,
        out_type=jax.ShapeDtypeStruct((_H, 1, _B), jnp.float32),
        mesh=mesh,
        scratch_types=[
            pltpu.VMEM((_H, _BCOLS), jnp.int32),
            pltpu.VMEM((_H, _BCOLS), jnp.int32),
            pltpu.VMEM((_H, 1, _BCOLS), jnp.float32),
            pltpu.VMEM((_H, 1, _BCOLS), jnp.float32),
            pltpu.SemaphoreType.DMA,
            pltpu.SemaphoreType.DMA,
            pltpu.SemaphoreType.DMA,
            pltpu.SemaphoreType.DMA,
        ],
    )(ids_t, tab2)
    return out_t.transpose(2, 0, 1)

# --- scband reference (transcript-rebuilt; emitter-appended) ---
"""Pipeline reference for scband-data-witness-36550171689288 (READ-ONLY COPY).

The authoritative reference and input builder live on the scoring server;
editing this copy changes nothing except your own understanding.
"""

import jax, jax.numpy as jnp
import numpy as np

NUM_IDS = 1000000
BATCH = 16384
HIST = 200

def setup_inputs(seed: int = 0) -> dict:
    key = jax.random.key(seed)
    k1, k2 = jax.random.split(key)
    input_ids = jax.random.randint(k1, (BATCH, HIST), 0, NUM_IDS)
    witness_ids = jax.random.randint(k2, (BATCH, HIST), 0, NUM_IDS)
    # nn.Embedding(num_ids, 1) with weights zero-initialized per nn.init.zeros_
    witness_weight = jnp.zeros((NUM_IDS, 1), dtype=jnp.float32)
    return {"input_ids": input_ids, "witness_ids": witness_ids, "witness_weight": witness_weight}

def reference(input_ids, witness_ids, witness_weight):
    assert input_ids.shape == witness_ids.shape
    w = jnp.take(witness_weight, witness_ids, axis=0)  # [B, L, 1] embedding gather
    out = w - jax.lax.stop_gradient(w)  # zeros in forward, grad flows through first term
    return out

if __name__ == "__main__":
    import jax
    _d = setup_inputs()
    print(jax.jit(kernel)(*tuple(_d.values())))

</pallas_src>

<mosaic_0001>
#map = affine_map<(d0, d1) -> (0, 0)>
#map1 = affine_map<(d0, d1) -> (0, 0, 0)>
module attributes {stable_mosaic.version = 14 : i64} {
  func.func @_witness_body(%arg0: i32, %arg1: i32, %arg2: memref<200x16384xi32, #tpu.memory_space<hbm>>, %arg3: memref<1x1000000xf32, #tpu.memory_space<hbm>>, %arg4: memref<200x1x16384xf32, #tpu.memory_space<hbm>>, %arg5: memref<200x128xi32, #tpu.memory_space<vmem>>, %arg6: memref<200x128xi32, #tpu.memory_space<vmem>>, %arg7: memref<200x1x128xf32, #tpu.memory_space<vmem>>, %arg8: memref<200x1x128xf32, #tpu.memory_space<vmem>>, %arg9: memref<!tpu.dma_semaphore, #tpu.memory_space<semaphore_mem>>, %arg10: memref<!tpu.dma_semaphore, #tpu.memory_space<semaphore_mem>>, %arg11: memref<!tpu.dma_semaphore, #tpu.memory_space<semaphore_mem>>, %arg12: memref<!tpu.dma_semaphore, #tpu.memory_space<semaphore_mem>>) attributes {dimension_semantics = [#tpu.dimension_semantics<core_parallel>, #tpu.dimension_semantics<subcore_parallel>], iteration_bounds = array<i64: 2, 16>, scalar_prefetch = 0 : i64, scratch_operands = 8 : i64, tpu.core_type = #tpu.core_type<sc_vector_subcore>, window_params = [{transform_indices = #map}, {transform_indices = #map}, {transform_indices = #map1}]} {
    %mul3A = arith.constant 2 : i32
    %mul3A_0 = arith.muli %arg1, %mul3A : i32
    %add3A = arith.addi %mul3A_0, %arg0 : i32
    %mul3A_1 = arith.constant 512 : i32
    %mul3A_2 = arith.muli %add3A, %mul3A_1 : i32
    %add3A_3 = arith.constant 0 : i32
    %add3A_4 = arith.addi %mul3A_2, %add3A_3 : i32
    "tpu.region"() ({
      %run_scoped3A = tpu.sem_alloc : memref<!tpu.dma_semaphore, #tpu.memory_space<semaphore_mem>>
      %dma_start3A_148 = arith.constant 0 : i32
      %dma_start3A_149 = tpu.memref_slice %arg2[%dma_start3A_148, %add3A_4] : memref<200x16384xi32, #tpu.memory_space<hbm>> -> memref<200x128xi32, #tpu.memory_space<hbm>>
      %dma_start3A_150 = arith.constant 0 : i32
      %dma_start3A_151 = tpu.memref_slice %arg2[%dma_start3A_150, %add3A_4] : memref<200x16384xi32, #tpu.memory_space<hbm>> -> memref<200x128xi32, #tpu.memory_space<hbm>>
      tpu.enqueue_dma source(%dma_start3A_151 : memref<200x128xi32, #tpu.memory_space<hbm>>) target(%arg5 : memref<200x128xi32, #tpu.memory_space<vmem>>) target_semaphore(%run_scoped3A : memref<!tpu.dma_semaphore, #tpu.memory_space<semaphore_mem>>)
      %dma_wait3A_152 = arith.constant 0 : i32
      %dma_wait3A_153 = tpu.memref_slice %arg2[%dma_wait3A_152, %add3A_4] : memref<200x16384xi32, #tpu.memory_space<hbm>> -> memref<200x128xi32, #tpu.memory_space<hbm>>
      %dma_wait3A_154 = arith.constant 0 : i32
      %dma_wait3A_155 = tpu.memref_slice %arg2[%dma_wait3A_154, %add3A_4] : memref<200x16384xi32, #tpu.memory_space<hbm>> -> memref<200x128xi32, #tpu.memory_space<hbm>>
      tpu.wait_dma2 semaphore(%run_scoped3A : memref<!tpu.dma_semaphore, #tpu.memory_space<semaphore_mem>>) src(%dma_wait3A_155 : memref<200x128xi32, #tpu.memory_space<hbm>>) dst(%arg5 : memref<200x128xi32, #tpu.memory_space<vmem>>)
      tpu.yield
    }) : () -> ()
    %scan3A = arith.constant 0 : i32
    %scan3A_5 = arith.constant 0 : i32
    %scan3A_6 = arith.constant 0 : i32
    %scan3A_7 = arith.constant 200 : i32
    %scan3A_8 = arith.addi %scan3A_6, %scan3A_7 : i32
    %scan3A_9 = arith.constant 1 : i32
    scf.for %scan3A_148 = %scan3A_6 to %scan3A_8 step %scan3A_9  : i32 {
      %dma_start3A_149 = arith.constant 0 : i32
      %dma_start3A_150 = arith.constant 0 : i32
      %dma_start3A_151 = arith.constant 0 : i32
      %dma_start3A_152 = tpu.memref_slice %arg7[%scan3A_148, %dma_start3A_150, %dma_start3A_151] : memref<200x1x128xf32, #tpu.memory_space<vmem>> -> memref<1x1x128xf32, #tpu.memory_space<vmem>>
      %dma_start3A_153 = tpu.memref_squeeze %dma_start3A_152 : memref<1x1x128xf32, #tpu.memory_space<vmem>> -> memref<1x128xf32, #tpu.memory_space<vmem>>
      %dma_start3A_154 = arith.constant 0 : i32
      %dma_start3A_155 = tpu.memref_slice %dma_start3A_153[%dma_start3A_149, %dma_start3A_154] : memref<1x128xf32, #tpu.memory_space<vmem>> -> memref<1x128xf32, #tpu.memory_space<vmem>>
      %dma_start3A_156 = tpu.memref_squeeze %dma_start3A_155 : memref<1x128xf32, #tpu.memory_space<vmem>> -> memref<128xf32, #tpu.memory_space<vmem>>
      %dma_start3A_157 = arith.constant 0 : i32
      %dma_start3A_158 = tpu.memref_slice %arg5[%scan3A_148, %dma_start3A_157] : memref<200x128xi32, #tpu.memory_space<vmem>> -> memref<1x128xi32, #tpu.memory_space<vmem>>
      %dma_start3A_159 = tpu.memref_squeeze %dma_start3A_158 : memref<1x128xi32, #tpu.memory_space<vmem>> -> memref<128xi32, #tpu.memory_space<vmem>>
      %dma_start3A_160 = arith.constant 0 : i32
      %dma_start3A_161 = tpu.memref_slice %arg3[%scan3A_5, %dma_start3A_160] : memref<1x1000000xf32, #tpu.memory_space<hbm>> -> memref<1x1000000xf32, #tpu.memory_space<hbm>>
      %dma_start3A_162 = tpu.memref_squeeze %dma_start3A_161 : memref<1x1000000xf32, #tpu.memory_space<hbm>> -> memref<1000000xf32, #tpu.memory_space<hbm>>
      %dma_start3A_163 = arith.constant 0 : i32
      %dma_start3A_164 = tpu.memref_slice %dma_start3A_162[%dma_start3A_163] : memref<1000000xf32, #tpu.memory_space<hbm>> -> memref<1000000xf32, #tpu.memory_space<hbm>>
      tpu.enqueue_indirect_dma source(%dma_start3A_164 : memref<1000000xf32, #tpu.memory_space<hbm>>) target(%dma_start3A_156 : memref<128xf32, #tpu.memory_space<vmem>>) offsets(%dma_start3A_159 : memref<128xi32, #tpu.memory_space<vmem>>) semaphore(%arg9 : memref<!tpu.dma_semaphore, #tpu.memory_space<semaphore_mem>>)
    }
    %scan3A_10 = arith.constant 200 : i32
    %add3A_11 = arith.constant 128 : i32
    %add3A_12 = arith.addi %mul3A_2, %add3A_11 : i32
    "tpu.region"() ({
      %run_scoped3A = tpu.sem_alloc : memref<!tpu.dma_semaphore, #tpu.memory_space<semaphore_mem>>
      %dma_start3A_148 = arith.constant 0 : i32
      %dma_start3A_149 = tpu.memref_slice %arg2[%dma_start3A_148, %add3A_12] : memref<200x16384xi32, #tpu.memory_space<hbm>> -> memref<200x128xi32, #tpu.memory_space<hbm>>
      %dma_start3A_150 = arith.constant 0 : i32
      %dma_start3A_151 = tpu.memref_slice %arg2[%dma_start3A_150, %add3A_12] : memref<200x16384xi32, #tpu.memory_space<hbm>> -> memref<200x128xi32, #tpu.memory_space<hbm>>
      tpu.enqueue_dma source(%dma_start3A_151 : memref<200x128xi32, #tpu.memory_space<hbm>>) target(%arg6 : memref<200x128xi32, #tpu.memory_space<vmem>>) target_semaphore(%run_scoped3A : memref<!tpu.dma_semaphore, #tpu.memory_space<semaphore_mem>>)
      %dma_wait3A_152 = arith.constant 0 : i32
      %dma_wait3A_153 = tpu.memref_slice %arg2[%dma_wait3A_152, %add3A_12] : memref<200x16384xi32, #tpu.memory_space<hbm>> -> memref<200x128xi32, #tpu.memory_space<hbm>>
      %dma_wait3A_154 = arith.constant 0 : i32
      %dma_wait3A_155 = tpu.memref_slice %arg2[%dma_wait3A_154, %add3A_12] : memref<200x16384xi32, #tpu.memory_space<hbm>> -> memref<200x128xi32, #tpu.memory_space<hbm>>
      tpu.wait_dma2 semaphore(%run_scoped3A : memref<!tpu.dma_semaphore, #tpu.memory_space<semaphore_mem>>) src(%dma_wait3A_155 : memref<200x128xi32, #tpu.memory_space<hbm>>) dst(%arg6 : memref<200x128xi32, #tpu.memory_space<vmem>>)
      tpu.yield
    }) : () -> ()
    %scan3A_13 = arith.constant 0 : i32
    %scan3A_14 = arith.constant 0 : i32
    %scan3A_15 = arith.constant 0 : i32
    %scan3A_16 = arith.constant 200 : i32
    %scan3A_17 = arith.addi %scan3A_15, %scan3A_16 : i32
    %scan3A_18 = arith.constant 1 : i32
    scf.for %scan3A_148 = %scan3A_15 to %scan3A_17 step %scan3A_18  : i32 {
      %dma_start3A_149 = arith.constant 0 : i32
      %dma_start3A_150 = arith.constant 0 : i32
      %dma_start3A_151 = arith.constant 0 : i32
      %dma_start3A_152 = tpu.memref_slice %arg8[%scan3A_148, %dma_start3A_150, %dma_start3A_151] : memref<200x1x128xf32, #tpu.memory_space<vmem>> -> memref<1x1x128xf32, #tpu.memory_space<vmem>>
      %dma_start3A_153 = tpu.memref_squeeze %dma_start3A_152 : memref<1x1x128xf32, #tpu.memory_space<vmem>> -> memref<1x128xf32, #tpu.memory_space<vmem>>
      %dma_start3A_154 = arith.constant 0 : i32
      %dma_start3A_155 = tpu.memref_slice %dma_start3A_153[%dma_start3A_149, %dma_start3A_154] : memref<1x128xf32, #tpu.memory_space<vmem>> -> memref<1x128xf32, #tpu.memory_space<vmem>>
      %dma_start3A_156 = tpu.memref_squeeze %dma_start3A_155 : memref<1x128xf32, #tpu.memory_space<vmem>> -> memref<128xf32, #tpu.memory_space<vmem>>
      %dma_start3A_157 = arith.constant 0 : i32
      %dma_start3A_158 = tpu.memref_slice %arg6[%scan3A_148, %dma_start3A_157] : memref<200x128xi32, #tpu.memory_space<vmem>> -> memref<1x128xi32, #tpu.memory_space<vmem>>
      %dma_start3A_159 = tpu.memref_squeeze %dma_start3A_158 : memref<1x128xi32, #tpu.memory_space<vmem>> -> memref<128xi32, #tpu.memory_space<vmem>>
      %dma_start3A_160 = arith.constant 0 : i32
      %dma_start3A_161 = tpu.memref_slice %arg3[%scan3A_14, %dma_start3A_160] : memref<1x1000000xf32, #tpu.memory_space<hbm>> -> memref<1x1000000xf32, #tpu.memory_space<hbm>>
      %dma_start3A_162 = tpu.memref_squeeze %dma_start3A_161 : memref<1x1000000xf32, #tpu.memory_space<hbm>> -> memref<1000000xf32, #tpu.memory_space<hbm>>
      %dma_start3A_163 = arith.constant 0 : i32
      %dma_start3A_164 = tpu.memref_slice %dma_start3A_162[%dma_start3A_163] : memref<1000000xf32, #tpu.memory_space<hbm>> -> memref<1000000xf32, #tpu.memory_space<hbm>>
      tpu.enqueue_indirect_dma source(%dma_start3A_164 : memref<1000000xf32, #tpu.memory_space<hbm>>) target(%dma_start3A_156 : memref<128xf32, #tpu.memory_space<vmem>>) offsets(%dma_start3A_159 : memref<128xi32, #tpu.memory_space<vmem>>) semaphore(%arg10 : memref<!tpu.dma_semaphore, #tpu.memory_space<semaphore_mem>>)
    }
    %scan3A_19 = arith.constant 200 : i32
    %add3A_20 = arith.constant 0 : i32
    %add3A_21 = arith.addi %mul3A_2, %add3A_20 : i32
    %dma_wait3A = arith.constant 0 : i32
    %dma_wait3A_22 = arith.constant 0 : i32
    %dma_wait3A_23 = tpu.memref_slice %arg4[%dma_wait3A, %dma_wait3A_22, %add3A_21] : memref<200x1x16384xf32, #tpu.memory_space<hbm>> -> memref<200x1x128xf32, #tpu.memory_space<hbm>>
    %dma_wait3A_24 = arith.constant 0 : i32
    %dma_wait3A_25 = arith.constant 0 : i32
    %dma_wait3A_26 = tpu.memref_slice %arg4[%dma_wait3A_24, %dma_wait3A_25, %add3A_21] : memref<200x1x16384xf32, #tpu.memory_space<hbm>> -> memref<200x1x128xf32, #tpu.memory_space<hbm>>
    tpu.wait_dma2 semaphore(%arg9 : memref<!tpu.dma_semaphore, #tpu.memory_space<semaphore_mem>>) src(%dma_wait3A_26 : memref<200x1x128xf32, #tpu.memory_space<hbm>>) dst(%arg7 : memref<200x1x128xf32, #tpu.memory_space<vmem>>)
    %scan3A_27 = arith.constant 0 : i32
    %scan3A_28 = arith.constant 0 : i32
    %scan3A_29 = arith.constant 200 : i32
    %scan3A_30 = arith.addi %scan3A_28, %scan3A_29 : i32
    %scan3A_31 = arith.constant 1 : i32
    scf.for %scan3A_148 = %scan3A_28 to %scan3A_30 step %scan3A_31  : i32 {
      %get3A = arith.constant 0 : i32
      %get3A_149 = arith.constant 0 : i32
      %get3A_150 = arith.constant 0 : i32
      %get3A_151 = tpu.memref_slice %arg7[%scan3A_148, %get3A_149, %get3A_150] : memref<200x1x128xf32, #tpu.memory_space<vmem>> -> memref<1x1x128xf32, #tpu.memory_space<vmem>>
      %get3A_152 = tpu.memref_squeeze %get3A_151 : memref<1x1x128xf32, #tpu.memory_space<vmem>> -> memref<1x128xf32, #tpu.memory_space<vmem>>
      %get3A_153 = arith.constant 0 : i32
      %get3A_154 = tpu.memref_slice %get3A_152[%get3A, %get3A_153] : memref<1x128xf32, #tpu.memory_space<vmem>> -> memref<1x128xf32, #tpu.memory_space<vmem>>
      %get3A_155 = tpu.memref_squeeze %get3A_154 : memref<1x128xf32, #tpu.memory_space<vmem>> -> memref<128xf32, #tpu.memory_space<vmem>>
      %get3A_156 = arith.constant 0 : index
      %get3A_157 = tpu.vector_load %get3A_155[%get3A_156] {strides = array<i32>} : memref<128xf32, #tpu.memory_space<vmem>>, vector<16xf32>,
      %get3A_158 = vector.shape_cast %get3A_157 : vector<16xf32> to vector<16xf32>
      %sub3A = arith.subf %get3A_158, %get3A_158 : vector<16xf32>
      %swap3A = arith.constant 0 : i32
      %swap3A_159 = arith.constant 0 : i32
      %swap3A_160 = arith.constant 0 : i32
      %swap3A_161 = tpu.memref_slice %arg7[%scan3A_148, %swap3A_159, %swap3A_160] : memref<200x1x128xf32, #tpu.memory_space<vmem>> -> memref<1x1x128xf32, #tpu.memory_space<vmem>>
      %swap3A_162 = tpu.memref_squeeze %swap3A_161 : memref<1x1x128xf32, #tpu.memory_space<vmem>> -> memref<1x128xf32, #tpu.memory_space<vmem>>
      %swap3A_163 = arith.constant 0 : i32
      %swap3A_164 = tpu.memref_slice %swap3A_162[%swap3A, %swap3A_163] : memref<1x128xf32, #tpu.memory_space<vmem>> -> memref<1x128xf32, #tpu.memory_space<vmem>>
      %swap3A_165 = tpu.memref_squeeze %swap3A_164 : memref<1x128xf32, #tpu.memory_space<vmem>> -> memref<128xf32, #tpu.memory_space<vmem>>
      %swap3A_166 = arith.constant 0 : index
      %swap3A_167 = tpu.vector_load %swap3A_165[%swap3A_166] {strides = array<i32>} : memref<128xf32, #tpu.memory_space<vmem>>, vector<16xf32>,
      %swap3A_168 = vector.shape_cast %swap3A_167 : vector<16xf32> to vector<16xf32>
      %swap3A_169 = vector.shape_cast %sub3A : vector<16xf32> to vector<16xf32>
      tpu.vector_store %swap3A_165[%swap3A_166], %swap3A_169 {strides = array<i32>} : memref<128xf32, #tpu.memory_space<vmem>>, vector<16xf32>,
      %get3A_170 = arith.constant 0 : i32
      %get3A_171 = arith.constant 0 : i32
      %get3A_172 = arith.constant 0 : i32
      %get3A_173 = tpu.memref_slice %arg7[%scan3A_148, %get3A_171, %get3A_172] : memref<200x1x128xf32, #tpu.memory_space<vmem>> -> memref<1x1x128xf32, #tpu.memory_space<vmem>>
      %get3A_174 = tpu.memref_squeeze %get3A_173 : memref<1x1x128xf32, #tpu.memory_space<vmem>> -> memref<1x128xf32, #tpu.memory_space<vmem>>
      %get3A_175 = arith.constant 0 : i32
      %get3A_176 = tpu.memref_slice %get3A_174[%get3A_170, %get3A_175] : memref<1x128xf32, #tpu.memory_space<vmem>> -> memref<1x128xf32, #tpu.memory_space<vmem>>
      %get3A_177 = tpu.memref_squeeze %get3A_176 : memref<1x128xf32, #tpu.memory_space<vmem>> -> memref<128xf32, #tpu.memory_space<vmem>>
      %get3A_178 = arith.constant 16 : index
      %get3A_179 = tpu.vector_load %get3A_177[%get3A_178] {strides = array<i32>} : memref<128xf32, #tpu.memory_space<vmem>>, vector<16xf32>,
      %get3A_180 = vector.shape_cast %get3A_179 : vector<16xf32> to vector<16xf32>
      %sub3A_181 = arith.subf %get3A_180, %get3A_180 : vector<16xf32>
      %swap3A_182 = arith.constant 0 : i32
      %swap3A_183 = arith.constant 0 : i32
      %swap3A_184 = arith.constant 0 : i32
      %swap3A_185 = tpu.memref_slice %arg7[%scan3A_148, %swap3A_183, %swap3A_184] : memref<200x1x128xf32, #tpu.memory_space<vmem>> -> memref<1x1x128xf32, #tpu.memory_space<vmem>>
      %swap3A_186 = tpu.memref_squeeze %swap3A_185 : memref<1x1x128xf32, #tpu.memory_space<vmem>> -> memref<1x128xf32, #tpu.memory_space<vmem>>
      %swap3A_187 = arith.constant 0 : i32
      %swap3A_188 = tpu.memref_slice %swap3A_186[%swap3A_182, %swap3A_187] : memref<1x128xf32, #tpu.memory_space<vmem>> -> memref<1x128xf32, #tpu.memory_space<vmem>>
      %swap3A_189 = tpu.memref_squeeze %swap3A_188 : memref<1x128xf32, #tpu.memory_space<vmem>> -> memref<128xf32, #tpu.memory_space<vmem>>
      %swap3A_190 = arith.constant 16 : index
      %swap3A_191 = tpu.vector_load %swap3A_189[%swap3A_190] {strides = array<i32>} : memref<128xf32, #tpu.memory_space<vmem>>, vector<16xf32>,
      %swap3A_192 = vector.shape_cast %swap3A_191 : vector<16xf32> to vector<16xf32>
      %swap3A_193 = vector.shape_cast %sub3A_181 : vector<16xf32> to vector<16xf32>
      tpu.vector_store %swap3A_189[%swap3A_190], %swap3A_193 {strides = array<i32>} : memref<128xf32, #tpu.memory_space<vmem>>, vector<16xf32>,
      %get3A_194 = arith.constant 0 : i32
      %get3A_195 = arith.constant 0 : i32
      %get3A_196 = arith.constant 0 : i32
      %get3A_197 = tpu.memref_slice %arg7[%scan3A_148, %get3A_195, %get3A_196] : memref<200x1x128xf32, #tpu.memory_space<vmem>> -> memref<1x1x128xf32, #tpu.memory_space<vmem>>
      %get3A_198 = tpu.memref_squeeze %get3A_197 : memref<1x1x128xf32, #tpu.memory_space<vmem>> -> memref<1x128xf32, #tpu.memory_space<vmem>>
      %get3A_199 = arith.constant 0 : i32
      %get3A_200 = tpu.memref_slice %get3A_198[%get3A_194, %get3A_199] : memref<1x128xf32, #tpu.memory_space<vmem>> -> memref<1x128xf32, #tpu.memory_space<vmem>>
      %get3A_201 = tpu.memref_squeeze %get3A_200 : memref<1x128xf32, #tpu.memory_space<vmem>> -> memref<128xf32, #tpu.memory_space<vmem>>
      %get3A_202 = arith.constant 32 : index
      %get3A_203 = tpu.vector_load %get3A_201[%get3A_202] {strides = array<i32>} : memref<128xf32, #tpu.memory_space<vmem>>, vector<16xf32>,
      %get3A_204 = vector.shape_cast %get3A_203 : vector<16xf32> to vector<16xf32>
      %sub3A_205 = arith.subf %get3A_204, %get3A_204 : vector<16xf32>
      %swap3A_206 = arith.constant 0 : i32
      %swap3A_207 = arith.constant 0 : i32
      %swap3A_208 = arith.constant 0 : i32
      %swap3A_209 = tpu.memref_slice %arg7[%scan3A_148, %swap3A_207, %swap3A_208] : memref<200x1x128xf32, #tpu.memory_space<vmem>> -> memref<1x1x128xf32, #tpu.memory_space<vmem>>
      %swap3A_210 = tpu.memref_squeeze %swap3A_209 : memref<1x1x128xf32, #tpu.memory_space<vmem>> -> memref<1x128xf32, #tpu.memory_space<vmem>>
      %swap3A_211 = arith.constant 0 : i32
      %swap3A_212 = tpu.memref_slice %swap3A_210[%swap3A_206, %swap3A_211] : memref<1x128xf32, #tpu.memory_space<vmem>> -> memref<1x128xf32, #tpu.memory_space<vmem>>
      %swap3A_213 = tpu.memref_squeeze %swap3A_212 : memref<1x128xf32, #tpu.memory_space<vmem>> -> memref<128xf32, #tpu.memory_space<vmem>>
      %swap3A_214 = arith.constant 32 : index
      %swap3A_215 = tpu.vector_load %swap3A_213[%swap3A_214] {strides = array<i32>} : memref<128xf32, #tpu.memory_space<vmem>>, vector<16xf32>,
      %swap3A_216 = vector.shape_cast %swap3A_215 : vector<16xf32> to vector<16xf32>
      %swap3A_217 = vector.shape_cast %sub3A_205 : vector<16xf32> to vector<16xf32>
      tpu.vector_store %swap3A_213[%swap3A_214], %swap3A_217 {strides = array<i32>} : memref<128xf32, #tpu.memory_space<vmem>>, vector<16xf32>,
      %get3A_218 = arith.constant 0 : i32
      %get3A_219 = arith.constant 0 : i32
      %get3A_220 = arith.constant 0 : i32
      %get3A_221 = tpu.memref_slice %arg7[%scan3A_148, %get3A_219, %get3A_220] : memref<200x1x128xf32, #tpu.memory_space<vmem>> -> memref<1x1x128xf32, #tpu.memory_space<vmem>>
      %get3A_222 = tpu.memref_squeeze %get3A_221 : memref<1x1x128xf32, #tpu.memory_space<vmem>> -> memref<1x128xf32, #tpu.memory_space<vmem>>
      %get3A_223 = arith.constant 0 : i32
      %get3A_224 = tpu.memref_slice %get3A_222[%get3A_218, %get3A_223] : memref<1x128xf32, #tpu.memory_space<vmem>> -> memref<1x128xf32, #tpu.memory_space<vmem>>
      %get3A_225 = tpu.memref_squeeze %get3A_224 : memref<1x128xf32, #tpu.memory_space<vmem>> -> memref<128xf32, #tpu.memory_space<vmem>>
      %get3A_226 = arith.constant 48 : index
      %get3A_227 = tpu.vector_load %get3A_225[%get3A_226] {strides = array<i32>} : memref<128xf32, #tpu.memory_space<vmem>>, vector<16xf32>,
      %get3A_228 = vector.shape_cast %get3A_227 : vector<16xf32> to vector<16xf32>
      %sub3A_229 = arith.subf %get3A_228, %get3A_228 : vector<16xf32>
      %swap3A_230 = arith.constant 0 : i32
      %swap3A_231 = arith.constant 0 : i32
      %swap3A_232 = arith.constant 0 : i32
      %swap3A_233 = tpu.memref_slice %arg7[%scan3A_148, %swap3A_231, %swap3A_232] : memref<200x1x128xf32, #tpu.memory_space<vmem>> -> memref<1x1x128xf32, #tpu.memory_space<vmem>>
      %swap3A_234 = tpu.memref_squeeze %swap3A_233 : memref<1x1x128xf32, #tpu.memory_space<vmem>> -> memref<1x128xf32, #tpu.memory_space<vmem>>
      %swap3A_235 = arith.constant 0 : i32
      %swap3A_236 = tpu.memref_slice %swap3A_234[%swap3A_230, %swap3A_235] : memref<1x128xf32, #tpu.memory_space<vmem>> -> memref<1x128xf32, #tpu.memory_space<vmem>>
      %swap3A_237 = tpu.memref_squeeze %swap3A_236 : memref<1x128xf32, #tpu.memory_space<vmem>> -> memref<128xf32, #tpu.memory_space<vmem>>
      %swap3A_238 = arith.constant 48 : index
      %swap3A_239 = tpu.vector_load %swap3A_237[%swap3A_238] {strides = array<i32>} : memref<128xf32, #tpu.memory_space<vmem>>, vector<16xf32>,
      %swap3A_240 = vector.shape_cast %swap3A_239 : vector<16xf32> to vector<16xf32>
      %swap3A_241 = vector.shape_cast %sub3A_229 : vector<16xf32> to vector<16xf32>
      tpu.vector_store %swap3A_237[%swap3A_238], %swap3A_241 {strides = array<i32>} : memref<128xf32, #tpu.memory_space<vmem>>, vector<16xf32>,
      %get3A_242 = arith.constant 0 : i32
      %get3A_243 = arith.constant 0 : i32
      %get3A_244 = arith.constant 0 : i32
      %get3A_245 = tpu.memref_slice %arg7[%scan3A_148, %get3A_243, %get3A_244] : memref<200x1x128xf32, #tpu.memory_space<vmem>> -> memref<1x1x128xf32, #tpu.memory_space<vmem>>
      %get3A_246 = tpu.memref_squeeze %get3A_245 : memref<1x1x128xf32, #tpu.memory_space<vmem>> -> memref<1x128xf32, #tpu.memory_space<vmem>>
      %get3A_247 = arith.constant 0 : i32
      %get3A_248 = tpu.memref_slice %get3A_246[%get3A_242, %get3A_247] : memref<1x128xf32, #tpu.memory_space<vmem>> -> memref<1x128xf32, #tpu.memory_space<vmem>>
      %get3A_249 = tpu.memref_squeeze %get3A_248 : memref<1x128xf32, #tpu.memory_space<vmem>> -> memref<128xf32, #tpu.memory_space<vmem>>
      %get3A_250 = arith.constant 64 : index
      %get3A_251 = tpu.vector_load %get3A_249[%get3A_250] {strides = array<i32>} : memref<128xf32, #tpu.memory_space<vmem>>, vector<16xf32>,
      %get3A_252 = vector.shape_cast %get3A_251 : vector<16xf32> to vector<16xf32>
      %sub3A_253 = arith.subf %get3A_252, %get3A_252 : vector<16xf32>
      %swap3A_254 = arith.constant 0 : i32
      %swap3A_255 = arith.constant 0 : i32
      %swap3A_256 = arith.constant 0 : i32
      %swap3A_257 = tpu.memref_slice %arg7[%scan3A_148, %swap3A_255, %swap3A_256] : memref<200x1x128xf32, #tpu.memory_space<vmem>> -> memref<1x1x128xf32, #tpu.memory_space<vmem>>
      %swap3A_258 = tpu.memref_squeeze %swap3A_257 : memref<1x1x128xf32, #tpu.memory_space<vmem>> -> memref<1x128xf32, #tpu.memory_space<vmem>>
      %swap3A_259 = arith.constant 0 : i32
      %swap3A_260 = tpu.memref_slice %swap3A_258[%swap3A_254, %swap3A_259] : memref<1x128xf32, #tpu.memory_space<vmem>> -> memref<1x128xf32, #tpu.memory_space<vmem>>
      %swap3A_261 = tpu.memref_squeeze %swap3A_260 : memref<1x128xf32, #tpu.memory_space<vmem>> -> memref<128xf32, #tpu.memory_space<vmem>>
      %swap3A_262 = arith.constant 64 : index
      %swap3A_263 = tpu.vector_load %swap3A_261[%swap3A_262] {strides = array<i32>} : memref<128xf32, #tpu.memory_space<vmem>>, vector<16xf32>,
      %swap3A_264 = vector.shape_cast %swap3A_263 : vector<16xf32> to vector<16xf32>
      %swap3A_265 = vector.shape_cast %sub3A_253 : vector<16xf32> to vector<16xf32>
      tpu.vector_store %swap3A_261[%swap3A_262], %swap3A_265 {strides = array<i32>} : memref<128xf32, #tpu.memory_space<vmem>>, vector<16xf32>,
      %get3A_266 = arith.constant 0 : i32
      %get3A_267 = arith.constant 0 : i32
      %get3A_268 = arith.constant 0 : i32
      %get3A_269 = tpu.memref_slice %arg7[%scan3A_148, %get3A_267, %get3A_268] : memref<200x1x128xf32, #tpu.memory_space<vmem>> -> memref<1x1x128xf32, #tpu.memory_space<vmem>>
      %get3A_270 = tpu.memref_squeeze %get3A_269 : memref<1x1x128xf32, #tpu.memory_space<vmem>> -> memref<1x128xf32, #tpu.memory_space<vmem>>
      %get3A_271 = arith.constant 0 : i32
      %get3A_272 = tpu.memref_slice %get3A_270[%get3A_266, %get3A_271] : memref<1x128xf32, #tpu.memory_space<vmem>> -> memref<1x128xf32, #tpu.memory_space<vmem>>
      %get3A_273 = tpu.memref_squeeze %get3A_272 : memref<1x128xf32, #tpu.memory_space<vmem>> -> memref<128xf32, #tpu.memory_space<vmem>>
      %get3A_274 = arith.constant 80 : index
      %get3A_275 = tpu.vector_load %get3A_273[%get3A_274] {strides = array<i32>} : memref<128xf32, #tpu.memory_space<vmem>>, vector<16xf32>,
      %get3A_276 = vector.shape_cast %get3A_275 : vector<16xf32> to vector<16xf32>
      %sub3A_277 = arith.subf %get3A_276, %get3A_276 : vector<16xf32>
      %swap3A_278 = arith.constant 0 : i32
      %swap3A_279 = arith.constant 0 : i32
      %swap3A_280 = arith.constant 0 : i32
      %swap3A_281 = tpu.memref_slice %arg7[%scan3A_148, %swap3A_279, %swap3A_280] : memref<200x1x128xf32, #tpu.memory_space<vmem>> -> memref<1x1x128xf32, #tpu.memory_space<vmem>>
      %swap3A_282 = tpu.memref_squeeze %swap3A_281 : memref<1x1x128xf32, #tpu.memory_space<vmem>> -> memref<1x128xf32, #tpu.memory_space<vmem>>
      %swap3A_283 = arith.constant 0 : i32
      %swap3A_284 = tpu.memref_slice %swap3A_282[%swap3A_278, %swap3A_283] : memref<1x128xf32, #tpu.memory_space<vmem>> -> memref<1x128xf32, #tpu.memory_space<vmem>>
      %swap3A_285 = tpu.memref_squeeze %swap3A_284 : memref<1x128xf32, #tpu.memory_space<vmem>> -> memref<128xf32, #tpu.memory_space<vmem>>
      %swap3A_286 = arith.constant 80 : index
      %swap3A_287 = tpu.vector_load %swap3A_285[%swap3A_286] {strides = array<i32>} : memref<128xf32, #tpu.memory_space<vmem>>, vector<16xf32>,
      %swap3A_288 = vector.shape_cast %swap3A_287 : vector<16xf32> to vector<16xf32>
      %swap3A_289 = vector.shape_cast %sub3A_277 : vector<16xf32> to vector<16xf32>
      tpu.vector_store %swap3A_285[%swap3A_286], %swap3A_289 {strides = array<i32>} : memref<128xf32, #tpu.memory_space<vmem>>, vector<16xf32>,
      %get3A_290 = arith.constant 0 : i32
      %get3A_291 = arith.constant 0 : i32
      %get3A_292 = arith.constant 0 : i32
      %get3A_293 = tpu.memref_slice %arg7[%scan3A_148, %get3A_291, %get3A_292] : memref<200x1x128xf32, #tpu.memory_space<vmem>> -> memref<1x1x128xf32, #tpu.memory_space<vmem>>
      %get3A_294 = tpu.memref_squeeze %get3A_293 : memref<1x1x128xf32, #tpu.memory_space<vmem>> -> memref<1x128xf32, #tpu.memory_space<vmem>>
      %get3A_295 = arith.constant 0 : i32
      %get3A_296 = tpu.memref_slice %get3A_294[%get3A_290, %get3A_295] : memref<1x128xf32, #tpu.memory_space<vmem>> -> memref<1x128xf32, #tpu.memory_space<vmem>>
      %get3A_297 = tpu.memref_squeeze %get3A_296 : memref<1x128xf32, #tpu.memory_space<vmem>> -> memref<128xf32, #tpu.memory_space<vmem>>
      %get3A_298 = arith.constant 96 : index
      %get3A_299 = tpu.vector_load %get3A_297[%get3A_298] {strides = array<i32>} : memref<128xf32, #tpu.memory_space<vmem>>, vector<16xf32>,
      %get3A_300 = vector.shape_cast %get3A_299 : vector<16xf32> to vector<16xf32>
      %sub3A_301 = arith.subf %get3A_300, %get3A_300 : vector<16xf32>
      %swap3A_302 = arith.constant 0 : i32
      %swap3A_303 = arith.constant 0 : i32
      %swap3A_304 = arith.constant 0 : i32
      %swap3A_305 = tpu.memref_slice %arg7[%scan3A_148, %swap3A_303, %swap3A_304] : memref<200x1x128xf32, #tpu.memory_space<vmem>> -> memref<1x1x128xf32, #tpu.memory_space<vmem>>
      %swap3A_306 = tpu.memref_squeeze %swap3A_305 : memref<1x1x128xf32, #tpu.memory_space<vmem>> -> memref<1x128xf32, #tpu.memory_space<vmem>>
      %swap3A_307 = arith.constant 0 : i32
      %swap3A_308 = tpu.memref_slice %swap3A_306[%swap3A_302, %swap3A_307] : memref<1x128xf32, #tpu.memory_space<vmem>> -> memref<1x128xf32, #tpu.memory_space<vmem>>
      %swap3A_309 = tpu.memref_squeeze %swap3A_308 : memref<1x128xf32, #tpu.memory_space<vmem>> -> memref<128xf32, #tpu.memory_space<vmem>>
      %swap3A_310 = arith.constant 96 : index
      %swap3A_311 = tpu.vector_load %swap3A_309[%swap3A_310] {strides = array<i32>} : memref<128xf32, #tpu.memory_space<vmem>>, vector<16xf32>,
      %swap3A_312 = vector.shape_cast %swap3A_311 : vector<16xf32> to vector<16xf32>
      %swap3A_313 = vector.shape_cast %sub3A_301 : vector<16xf32> to vector<16xf32>
      tpu.vector_store %swap3A_309[%swap3A_310], %swap3A_313 {strides = array<i32>} : memref<128xf32, #tpu.memory_space<vmem>>, vector<16xf32>,
      %get3A_314 = arith.constant 0 : i32
      %get3A_315 = arith.constant 0 : i32
      %get3A_316 = arith.constant 0 : i32
      %get3A_317 = tpu.memref_slice %arg7[%scan3A_148, %get3A_315, %get3A_316] : memref<200x1x128xf32, #tpu.memory_space<vmem>> -> memref<1x1x128xf32, #tpu.memory_space<vmem>>
      %get3A_318 = tpu.memref_squeeze %get3A_317 : memref<1x1x128xf32, #tpu.memory_space<vmem>> -> memref<1x128xf32, #tpu.memory_space<vmem>>
      %get3A_319 = arith.constant 0 : i32
      %get3A_320 = tpu.memref_slice %get3A_318[%get3A_314, %get3A_319] : memref<1x128xf32, #tpu.memory_space<vmem>> -> memref<1x128xf32, #tpu.memory_space<vmem>>
      %get3A_321 = tpu.memref_squeeze %get3A_320 : memref<1x128xf32, #tpu.memory_space<vmem>> -> memref<128xf32, #tpu.memory_space<vmem>>
      %get3A_322 = arith.constant 112 : index
      %get3A_323 = tpu.vector_load %get3A_321[%get3A_322] {strides = array<i32>} : memref<128xf32, #tpu.memory_space<vmem>>, vector<16xf32>,
      %get3A_324 = vector.shape_cast %get3A_323 : vector<16xf32> to vector<16xf32>
      %sub3A_325 = arith.subf %get3A_324, %get3A_324 : vector<16xf32>
      %swap3A_326 = arith.constant 0 : i32
      %swap3A_327 = arith.constant 0 : i32
      %swap3A_328 = arith.constant 0 : i32
      %swap3A_329 = tpu.memref_slice %arg7[%scan3A_148, %swap3A_327, %swap3A_328] : memref<200x1x128xf32, #tpu.memory_space<vmem>> -> memref<1x1x128xf32, #tpu.memory_space<vmem>>
      %swap3A_330 = tpu.memref_squeeze %swap3A_329 : memref<1x1x128xf32, #tpu.memory_space<vmem>> -> memref<1x128xf32, #tpu.memory_space<vmem>>
      %swap3A_331 = arith.constant 0 : i32
      %swap3A_332 = tpu.memref_slice %swap3A_330[%swap3A_326, %swap3A_331] : memref<1x128xf32, #tpu.memory_space<vmem>> -> memref<1x128xf32, #tpu.memory_space<vmem>>
      %swap3A_333 = tpu.memref_squeeze %swap3A_332 : memref<1x128xf32, #tpu.memory_space<vmem>> -> memref<128xf32, #tpu.memory_space<vmem>>
      %swap3A_334 = arith.constant 112 : index
      %swap3A_335 = tpu.vector_load %swap3A_333[%swap3A_334] {strides = array<i32>} : memref<128xf32, #tpu.memory_space<vmem>>, vector<16xf32>,
      %swap3A_336 = vector.shape_cast %swap3A_335 : vector<16xf32> to vector<16xf32>
      %swap3A_337 = vector.shape_cast %sub3A_325 : vector<16xf32> to vector<16xf32>
      tpu.vector_store %swap3A_333[%swap3A_334], %swap3A_337 {strides = array<i32>} : memref<128xf32, #tpu.memory_space<vmem>>, vector<16xf32>,
    }
    %scan3A_32 = arith.constant 200 : i32
    %add3A_33 = arith.constant 0 : i32
    %add3A_34 = arith.addi %mul3A_2, %add3A_33 : i32
    %dma_start3A = arith.constant 0 : i32
    %dma_start3A_35 = arith.constant 0 : i32
    %dma_start3A_36 = tpu.memref_slice %arg4[%dma_start3A, %dma_start3A_35, %add3A_34] : memref<200x1x16384xf32, #tpu.memory_space<hbm>> -> memref<200x1x128xf32, #tpu.memory_space<hbm>>
    %dma_start3A_37 = arith.constant 0 : i32
    %dma_start3A_38 = arith.constant 0 : i32
    %dma_start3A_39 = tpu.memref_slice %arg4[%dma_start3A_37, %dma_start3A_38, %add3A_34] : memref<200x1x16384xf32, #tpu.memory_space<hbm>> -> memref<200x1x128xf32, #tpu.memory_space<hbm>>
    tpu.enqueue_dma source(%arg7 : memref<200x1x128xf32, #tpu.memory_space<vmem>>) target(%dma_start3A_39 : memref<200x1x128xf32, #tpu.memory_space<hbm>>) target_semaphore(%arg11 : memref<!tpu.dma_semaphore, #tpu.memory_space<semaphore_mem>>)
    %dma_wait3A_40 = arith.constant 0 : i32
    %dma_wait3A_41 = arith.constant 0 : i32
    %dma_wait3A_42 = tpu.memref_slice %arg4[%dma_wait3A_40, %dma_wait3A_41, %add3A_34] : memref<200x1x16384xf32, #tpu.memory_space<hbm>> -> memref<200x1x128xf32, #tpu.memory_space<hbm>>
    %dma_wait3A_43 = arith.constant 0 : i32
    %dma_wait3A_44 = arith.constant 0 : i32
    %dma_wait3A_45 = tpu.memref_slice %arg4[%dma_wait3A_43, %dma_wait3A_44, %add3A_34] : memref<200x1x16384xf32, #tpu.memory_space<hbm>> -> memref<200x1x128xf32, #tpu.memory_space<hbm>>
    tpu.wait_dma2 semaphore(%arg11 : memref<!tpu.dma_semaphore, #tpu.memory_space<semaphore_mem>>) src(%arg7 : memref<200x1x128xf32, #tpu.memory_space<vmem>>) dst(%dma_wait3A_45 : memref<200x1x128xf32, #tpu.memory_space<hbm>>)
    %add3A_46 = arith.constant 256 : i32
    %add3A_47 = arith.addi %mul3A_2, %add3A_46 : i32
    "tpu.region"() ({
      %run_scoped3A = tpu.sem_alloc : memref<!tpu.dma_semaphore, #tpu.memory_space<semaphore_mem>>
      %dma_start3A_148 = arith.constant 0 : i32
      %dma_start3A_149 = tpu.memref_slice %arg2[%dma_start3A_148, %add3A_47] : memref<200x16384xi32, #tpu.memory_space<hbm>> -> memref<200x128xi32, #tpu.memory_space<hbm>>
      %dma_start3A_150 = arith.constant 0 : i32
      %dma_start3A_151 = tpu.memref_slice %arg2[%dma_start3A_150, %add3A_47] : memref<200x16384xi32, #tpu.memory_space<hbm>> -> memref<200x128xi32, #tpu.memory_space<hbm>>
      tpu.enqueue_dma source(%dma_start3A_151 : memref<200x128xi32, #tpu.memory_space<hbm>>) target(%arg5 : memref<200x128xi32, #tpu.memory_space<vmem>>) target_semaphore(%run_scoped3A : memref<!tpu.dma_semaphore, #tpu.memory_space<semaphore_mem>>)
      %dma_wait3A_152 = arith.constant 0 : i32
      %dma_wait3A_153 = tpu.memref_slice %arg2[%dma_wait3A_152, %add3A_47] : memref<200x16384xi32, #tpu.memory_space<hbm>> -> memref<200x128xi32, #tpu.memory_space<hbm>>
      %dma_wait3A_154 = arith.constant 0 : i32
      %dma_wait3A_155 = tpu.memref_slice %arg2[%dma_wait3A_154, %add3A_47] : memref<200x16384xi32, #tpu.memory_space<hbm>> -> memref<200x128xi32, #tpu.memory_space<hbm>>
      tpu.wait_dma2 semaphore(%run_scoped3A : memref<!tpu.dma_semaphore, #tpu.memory_space<semaphore_mem>>) src(%dma_wait3A_155 : memref<200x128xi32, #tpu.memory_space<hbm>>) dst(%arg5 : memref<200x128xi32, #tpu.memory_space<vmem>>)
      tpu.yield
    }) : () -> ()
    %scan3A_48 = arith.constant 0 : i32
    %scan3A_49 = arith.constant 0 : i32
    %scan3A_50 = arith.constant 0 : i32
    %scan3A_51 = arith.constant 200 : i32
    %scan3A_52 = arith.addi %scan3A_50, %scan3A_51 : i32
    %scan3A_53 = arith.constant 1 : i32
    scf.for %scan3A_148 = %scan3A_50 to %scan3A_52 step %scan3A_53  : i32 {
      %dma_start3A_149 = arith.constant 0 : i32
      %dma_start3A_150 = arith.constant 0 : i32
      %dma_start3A_151 = arith.constant 0 : i32
      %dma_start3A_152 = tpu.memref_slice %arg7[%scan3A_148, %dma_start3A_150, %dma_start3A_151] : memref<200x1x128xf32, #tpu.memory_space<vmem>> -> memref<1x1x128xf32, #tpu.memory_space<vmem>>
      %dma_start3A_153 = tpu.memref_squeeze %dma_start3A_152 : memref<1x1x128xf32, #tpu.memory_space<vmem>> -> memref<1x128xf32, #tpu.memory_space<vmem>>
      %dma_start3A_154 = arith.constant 0 : i32
      %dma_start3A_155 = tpu.memref_slice %dma_start3A_153[%dma_start3A_149, %dma_start3A_154] : memref<1x128xf32, #tpu.memory_space<vmem>> -> memref<1x128xf32, #tpu.memory_space<vmem>>
      %dma_start3A_156 = tpu.memref_squeeze %dma_start3A_155 : memref<1x128xf32, #tpu.memory_space<vmem>> -> memref<128xf32, #tpu.memory_space<vmem>>
      %dma_start3A_157 = arith.constant 0 : i32
      %dma_start3A_158 = tpu.memref_slice %arg5[%scan3A_148, %dma_start3A_157] : memref<200x128xi32, #tpu.memory_space<vmem>> -> memref<1x128xi32, #tpu.memory_space<vmem>>
      %dma_start3A_159 = tpu.memref_squeeze %dma_start3A_158 : memref<1x128xi32, #tpu.memory_space<vmem>> -> memref<128xi32, #tpu.memory_space<vmem>>
      %dma_start3A_160 = arith.constant 0 : i32
      %dma_start3A_161 = tpu.memref_slice %arg3[%scan3A_49, %dma_start3A_160] : memref<1x1000000xf32, #tpu.memory_space<hbm>> -> memref<1x1000000xf32, #tpu.memory_space<hbm>>
      %dma_start3A_162 = tpu.memref_squeeze %dma_start3A_161 : memref<1x1000000xf32, #tpu.memory_space<hbm>> -> memref<1000000xf32, #tpu.memory_space<hbm>>
      %dma_start3A_163 = arith.constant 0 : i32
      %dma_start3A_164 = tpu.memref_slice %dma_start3A_162[%dma_start3A_163] : memref<1000000xf32, #tpu.memory_space<hbm>> -> memref<1000000xf32, #tpu.memory_space<hbm>>
      tpu.enqueue_indirect_dma source(%dma_start3A_164 : memref<1000000xf32, #tpu.memory_space<hbm>>) target(%dma_start3A_156 : memref<128xf32, #tpu.memory_space<vmem>>) offsets(%dma_start3A_159 : memref<128xi32, #tpu.memory_space<vmem>>) semaphore(%arg9 : memref<!tpu.dma_semaphore, #tpu.memory_space<semaphore_mem>>)
    }
    %scan3A_54 = arith.constant 200 : i32
    %add3A_55 = arith.constant 128 : i32
    %add3A_56 = arith.addi %mul3A_2, %add3A_55 : i32
    %dma_wait3A_57 = arith.constant 0 : i32
    %dma_wait3A_58 = arith.constant 0 : i32
    %dma_wait3A_59 = tpu.memref_slice %arg4[%dma_wait3A_57, %dma_wait3A_58, %add3A_56] : memref<200x1x16384xf32, #tpu.memory_space<hbm>> -> memref<200x1x128xf32, #tpu.memory_space<hbm>>
    %dma_wait3A_60 = arith.constant 0 : i32
    %dma_wait3A_61 = arith.constant 0 : i32
    %dma_wait3A_62 = tpu.memref_slice %arg4[%dma_wait3A_60, %dma_wait3A_61, %add3A_56] : memref<200x1x16384xf32, #tpu.memory_space<hbm>> -> memref<200x1x128xf32, #tpu.memory_space<hbm>>
    tpu.wait_dma2 semaphore(%arg10 : memref<!tpu.dma_semaphore, #tpu.memory_space<semaphore_mem>>) src(%dma_wait3A_62 : memref<200x1x128xf32, #tpu.memory_space<hbm>>) dst(%arg8 : memref<200x1x128xf32, #tpu.memory_space<vmem>>)
    %scan3A_63 = arith.constant 0 : i32
    %scan3A_64 = arith.constant 0 : i32
    %scan3A_65 = arith.constant 200 : i32
    %scan3A_66 = arith.addi %scan3A_64, %scan3A_65 : i32
    %scan3A_67 = arith.constant 1 : i32
    scf.for %scan3A_148 = %scan3A_64 to %scan3A_66 step %scan3A_67  : i32 {
      %get3A = arith.constant 0 : i32
      %get3A_149 = arith.constant 0 : i32
      %get3A_150 = arith.constant 0 : i32
      %get3A_151 = tpu.memref_slice %arg8[%scan3A_148, %get3A_149, %get3A_150] : memref<200x1x128xf32, #tpu.memory_space<vmem>> -> memref<1x1x128xf32, #tpu.memory_space<vmem>>
      %get3A_152 = tpu.memref_squeeze %get3A_151 : memref<1x1x128xf32, #tpu.memory_space<vmem>> -> memref<1x128xf32, #tpu.memory_space<vmem>>
      %get3A_153 = arith.constant 0 : i32
      %get3A_154 = tpu.memref_slice %get3A_152[%get3A, %get3A_153] : memref<1x128xf32, #tpu.memory_space<vmem>> -> memref<1x128xf32, #tpu.memory_space<vmem>>
      %get3A_155 = tpu.memref_squeeze %get3A_154 : memref<1x128xf32, #tpu.memory_space<vmem>> -> memref<128xf32, #tpu.memory_space<vmem>>
      %get3A_156 = arith.constant 0 : index
      %get3A_157 = tpu.vector_load %get3A_155[%get3A_156] {strides = array<i32>} : memref<128xf32, #tpu.memory_space<vmem>>, vector<16xf32>,
      %get3A_158 = vector.shape_cast %get3A_157 : vector<16xf32> to vector<16xf32>
      %sub3A = arith.subf %get3A_158, %get3A_158 : vector<16xf32>
      %swap3A = arith.constant 0 : i32
      %swap3A_159 = arith.constant 0 : i32
      %swap3A_160 = arith.constant 0 : i32
      %swap3A_161 = tpu.memref_slice %arg8[%scan3A_148, %swap3A_159, %swap3A_160] : memref<200x1x128xf32, #tpu.memory_space<vmem>> -> memref<1x1x128xf32, #tpu.memory_space<vmem>>
      %swap3A_162 = tpu.memref_squeeze %swap3A_161 : memref<1x1x128xf32, #tpu.memory_space<vmem>> -> memref<1x128xf32, #tpu.memory_space<vmem>>
      %swap3A_163 = arith.constant 0 : i32
      %swap3A_164 = tpu.memref_slice %swap3A_162[%swap3A, %swap3A_163] : memref<1x128xf32, #tpu.memory_space<vmem>> -> memref<1x128xf32, #tpu.memory_space<vmem>>
      %swap3A_165 = tpu.memref_squeeze %swap3A_164 : memref<1x128xf32, #tpu.memory_space<vmem>> -> memref<128xf32, #tpu.memory_space<vmem>>
      %swap3A_166 = arith.constant 0 : index
      %swap3A_167 = tpu.vector_load %swap3A_165[%swap3A_166] {strides = array<i32>} : memref<128xf32, #tpu.memory_space<vmem>>, vector<16xf32>,
      %swap3A_168 = vector.shape_cast %swap3A_167 : vector<16xf32> to vector<16xf32>
      %swap3A_169 = vector.shape_cast %sub3A : vector<16xf32> to vector<16xf32>
      tpu.vector_store %swap3A_165[%swap3A_166], %swap3A_169 {strides = array<i32>} : memref<128xf32, #tpu.memory_space<vmem>>, vector<16xf32>,
      %get3A_170 = arith.constant 0 : i32
      %get3A_171 = arith.constant 0 : i32
      %get3A_172 = arith.constant 0 : i32
      %get3A_173 = tpu.memref_slice %arg8[%scan3A_148, %get3A_171, %get3A_172] : memref<200x1x128xf32, #tpu.memory_space<vmem>> -> memref<1x1x128xf32, #tpu.memory_space<vmem>>
      %get3A_174 = tpu.memref_squeeze %get3A_173 : memref<1x1x128xf32, #tpu.memory_space<vmem>> -> memref<1x128xf32, #tpu.memory_space<vmem>>
      %get3A_175 = arith.constant 0 : i32
      %get3A_176 = tpu.memref_slice %get3A_174[%get3A_170, %get3A_175] : memref<1x128xf32, #tpu.memory_space<vmem>> -> memref<1x128xf32, #tpu.memory_space<vmem>>
      %get3A_177 = tpu.memref_squeeze %get3A_176 : memref<1x128xf32, #tpu.memory_space<vmem>> -> memref<128xf32, #tpu.memory_space<vmem>>
      %get3A_178 = arith.constant 16 : index
      %get3A_179 = tpu.vector_load %get3A_177[%get3A_178] {strides = array<i32>} : memref<128xf32, #tpu.memory_space<vmem>>, vector<16xf32>,
      %get3A_180 = vector.shape_cast %get3A_179 : vector<16xf32> to vector<16xf32>
      %sub3A_181 = arith.subf %get3A_180, %get3A_180 : vector<16xf32>
      %swap3A_182 = arith.constant 0 : i32
      %swap3A_183 = arith.constant 0 : i32
      %swap3A_184 = arith.constant 0 : i32
      %swap3A_185 = tpu.memref_slice %arg8[%scan3A_148, %swap3A_183, %swap3A_184] : memref<200x1x128xf32, #tpu.memory_space<vmem>> -> memref<1x1x128xf32, #tpu.memory_space<vmem>>
      %swap3A_186 = tpu.memref_squeeze %swap3A_185 : memref<1x1x128xf32, #tpu.memory_space<vmem>> -> memref<1x128xf32, #tpu.memory_space<vmem>>
      %swap3A_187 = arith.constant 0 : i32
      %swap3A_188 = tpu.memref_slice %swap3A_186[%swap3A_182, %swap3A_187] : memref<1x128xf32, #tpu.memory_space<vmem>> -> memref<1x128xf32, #tpu.memory_space<vmem>>
      %swap3A_189 = tpu.memref_squeeze %swap3A_188 : memref<1x128xf32, #tpu.memory_space<vmem>> -> memref<128xf32, #tpu.memory_space<vmem>>
      %swap3A_190 = arith.constant 16 : index
      %swap3A_191 = tpu.vector_load %swap3A_189[%swap3A_190] {strides = array<i32>} : memref<128xf32, #tpu.memory_space<vmem>>, vector<16xf32>,
      %swap3A_192 = vector.shape_cast %swap3A_191 : vector<16xf32> to vector<16xf32>
      %swap3A_193 = vector.shape_cast %sub3A_181 : vector<16xf32> to vector<16xf32>
      tpu.vector_store %swap3A_189[%swap3A_190], %swap3A_193 {strides = array<i32>} : memref<128xf32, #tpu.memory_space<vmem>>, vector<16xf32>,
      %get3A_194 = arith.constant 0 : i32
      %get3A_195 = arith.constant 0 : i32
      %get3A_196 = arith.constant 0 : i32
      %get3A_197 = tpu.memref_slice %arg8[%scan3A_148, %get3A_195, %get3A_196] : memref<200x1x128xf32, #tpu.memory_space<vmem>> -> memref<1x1x128xf32, #tpu.memory_space<vmem>>
      %get3A_198 = tpu.memref_squeeze %get3A_197 : memref<1x1x128xf32, #tpu.memory_space<vmem>> -> memref<1x128xf32, #tpu.memory_space<vmem>>
      %get3A_199 = arith.constant 0 : i32
      %get3A_200 = tpu.memref_slice %get3A_198[%get3A_194, %get3A_199] : memref<1x128xf32, #tpu.memory_space<vmem>> -> memref<1x128xf32, #tpu.memory_space<vmem>>
      %get3A_201 = tpu.memref_squeeze %get3A_200 : memref<1x128xf32, #tpu.memory_space<vmem>> -> memref<128xf32, #tpu.memory_space<vmem>>
      %get3A_202 = arith.constant 32 : index
      %get3A_203 = tpu.vector_load %get3A_201[%get3A_202] {strides = array<i32>} : memref<128xf32, #tpu.memory_space<vmem>>, vector<16xf32>,
      %get3A_204 = vector.shape_cast %get3A_203 : vector<16xf32> to vector<16xf32>
      %sub3A_205 = arith.subf %get3A_204, %get3A_204 : vector<16xf32>
      %swap3A_206 = arith.constant 0 : i32
      %swap3A_207 = arith.constant 0 : i32
      %swap3A_208 = arith.constant 0 : i32
      %swap3A_209 = tpu.memref_slice %arg8[%scan3A_148, %swap3A_207, %swap3A_208] : memref<200x1x128xf32, #tpu.memory_space<vmem>> -> memref<1x1x128xf32, #tpu.memory_space<vmem>>
      %swap3A_210 = tpu.memref_squeeze %swap3A_209 : memref<1x1x128xf32, #tpu.memory_space<vmem>> -> memref<1x128xf32, #tpu.memory_space<vmem>>
      %swap3A_211 = arith.constant 0 : i32
      %swap3A_212 = tpu.memref_slice %swap3A_210[%swap3A_206, %swap3A_211] : memref<1x128xf32, #tpu.memory_space<vmem>> -> memref<1x128xf32, #tpu.memory_space<vmem>>
      %swap3A_213 = tpu.memref_squeeze %swap3A_212 : memref<1x128xf32, #tpu.memory_space<vmem>> -> memref<128xf32, #tpu.memory_space<vmem>>
      %swap3A_214 = arith.constant 32 : index
      %swap3A_215 = tpu.vector_load %swap3A_213[%swap3A_214] {strides = array<i32>} : memref<128xf32, #tpu.memory_space<vmem>>, vector<16xf32>,
      %swap3A_216 = vector.shape_cast %swap3A_215 : vector<16xf32> to vector<16xf32>
      %swap3A_217 = vector.shape_cast %sub3A_205 : vector<16xf32> to vector<16xf32>
      tpu.vector_store %swap3A_213[%swap3A_214], %swap3A_217 {strides = array<i32>} : memref<128xf32, #tpu.memory_space<vmem>>, vector<16xf32>,
      %get3A_218 = arith.constant 0 : i32
      %get3A_219 = arith.constant 0 : i32
      %get3A_220 = arith.constant 0 : i32
      %get3A_221 = tpu.memref_slice %arg8[%scan3A_148, %get3A_219, %get3A_220] : memref<200x1x128xf32, #tpu.memory_space<vmem>> -> memref<1x1x128xf32, #tpu.memory_space<vmem>>
      %get3A_222 = tpu.memref_squeeze %get3A_221 : memref<1x1x128xf32, #tpu.memory_space<vmem>> -> memref<1x128xf32, #tpu.memory_space<vmem>>
      %get3A_223 = arith.constant 0 : i32
      %get3A_224 = tpu.memref_slice %get3A_222[%get3A_218, %get3A_223] : memref<1x128xf32, #tpu.memory_space<vmem>> -> memref<1x128xf32, #tpu.memory_space<vmem>>
      %get3A_225 = tpu.memref_squeeze %get3A_224 : memref<1x128xf32, #tpu.memory_space<vmem>> -> memref<128xf32, #tpu.memory_space<vmem>>
      %get3A_226 = arith.constant 48 : index
      %get3A_227 = tpu.vector_load %get3A_225[%get3A_226] {strides = array<i32>} : memref<128xf32, #tpu.memory_space<vmem>>, vector<16xf32>,
      %get3A_228 = vector.shape_cast %get3A_227 : vector<16xf32> to vector<16xf32>
      %sub3A_229 = arith.subf %get3A_228, %get3A_228 : vector<16xf32>
      %swap3A_230 = arith.constant 0 : i32
      %swap3A_231 = arith.constant 0 : i32
      %swap3A_232 = arith.constant 0 : i32
      %swap3A_233 = tpu.memref_slice %arg8[%scan3A_148, %swap3A_231, %swap3A_232] : memref<200x1x128xf32, #tpu.memory_space<vmem>> -> memref<1x1x128xf32, #tpu.memory_space<vmem>>
      %swap3A_234 = tpu.memref_squeeze %swap3A_233 : memref<1x1x128xf32, #tpu.memory_space<vmem>> -> memref<1x128xf32, #tpu.memory_space<vmem>>
      %swap3A_235 = arith.constant 0 : i32
      %swap3A_236 = tpu.memref_slice %swap3A_234[%swap3A_230, %swap3A_235] : memref<1x128xf32, #tpu.memory_space<vmem>> -> memref<1x128xf32, #tpu.memory_space<vmem>>
      %swap3A_237 = tpu.memref_squeeze %swap3A_236 : memref<1x128xf32, #tpu.memory_space<vmem>> -> memref<128xf32, #tpu.memory_space<vmem>>
      %swap3A_238 = arith.constant 48 : index
      %swap3A_239 = tpu.vector_load %swap3A_237[%swap3A_238] {strides = array<i32>} : memref<128xf32, #tpu.memory_space<vmem>>, vector<16xf32>,
      %swap3A_240 = vector.shape_cast %swap3A_239 : vector<16xf32> to vector<16xf32>
      %swap3A_241 = vector.shape_cast %sub3A_229 : vector<16xf32> to vector<16xf32>
      tpu.vector_store %swap3A_237[%swap3A_238], %swap3A_241 {strides = array<i32>} : memref<128xf32, #tpu.memory_space<vmem>>, vector<16xf32>,
      %get3A_242 = arith.constant 0 : i32
      %get3A_243 = arith.constant 0 : i32
      %get3A_244 = arith.constant 0 : i32
      %get3A_245 = tpu.memref_slice %arg8[%scan3A_148, %get3A_243, %get3A_244] : memref<200x1x128xf32, #tpu.memory_space<vmem>> -> memref<1x1x128xf32, #tpu.memory_space<vmem>>
      %get3A_246 = tpu.memref_squeeze %get3A_245 : memref<1x1x128xf32, #tpu.memory_space<vmem>> -> memref<1x128xf32, #tpu.memory_space<vmem>>
      %get3A_247 = arith.constant 0 : i32
      %get3A_248 = tpu.memref_slice %get3A_246[%get3A_242, %get3A_247] : memref<1x128xf32, #tpu.memory_space<vmem>> -> memref<1x128xf32, #tpu.memory_space<vmem>>
      %get3A_249 = tpu.memref_squeeze %get3A_248 : memref<1x128xf32, #tpu.memory_space<vmem>> -> memref<128xf32, #tpu.memory_space<vmem>>
      %get3A_250 = arith.constant 64 : index
      %get3A_251 = tpu.vector_load %get3A_249[%get3A_250] {strides = array<i32>} : memref<128xf32, #tpu.memory_space<vmem>>, vector<16xf32>,
      %get3A_252 = vector.shape_cast %get3A_251 : vector<16xf32> to vector<16xf32>
      %sub3A_253 = arith.subf %get3A_252, %get3A_252 : vector<16xf32>
      %swap3A_254 = arith.constant 0 : i32
      %swap3A_255 = arith.constant 0 : i32
      %swap3A_256 = arith.constant 0 : i32
      %swap3A_257 = tpu.memref_slice %arg8[%scan3A_148, %swap3A_255, %swap3A_256] : memref<200x1x128xf32, #tpu.memory_space<vmem>> -> memref<1x1x128xf32, #tpu.memory_space<vmem>>
      %swap3A_258 = tpu.memref_squeeze %swap3A_257 : memref<1x1x128xf32, #tpu.memory_space<vmem>> -> memref<1x128xf32, #tpu.memory_space<vmem>>
      %swap3A_259 = arith.constant 0 : i32
      %swap3A_260 = tpu.memref_slice %swap3A_258[%swap3A_254, %swap3A_259] : memref<1x128xf32, #tpu.memory_space<vmem>> -> memref<1x128xf32, #tpu.memory_space<vmem>>
      %swap3A_261 = tpu.memref_squeeze %swap3A_260 : memref<1x128xf32, #tpu.memory_space<vmem>> -> memref<128xf32, #tpu.memory_space<vmem>>
      %swap3A_262 = arith.constant 64 : index
      %swap3A_263 = tpu.vector_load %swap3A_261[%swap3A_262] {strides = array<i32>} : memref<128xf32, #tpu.memory_space<vmem>>, vector<16xf32>,
      %swap3A_264 = vector.shape_cast %swap3A_263 : vector<16xf32> to vector<16xf32>
      %swap3A_265 = vector.shape_cast %sub3A_253 : vector<16xf32> to vector<16xf32>
      tpu.vector_store %swap3A_261[%swap3A_262], %swap3A_265 {strides = array<i32>} : memref<128xf32, #tpu.memory_space<vmem>>, vector<16xf32>,
      %get3A_266 = arith.constant 0 : i32
      %get3A_267 = arith.constant 0 : i32
      %get3A_268 = arith.constant 0 : i32
      %get3A_269 = tpu.memref_slice %arg8[%scan3A_148, %get3A_267, %get3A_268] : memref<200x1x128xf32, #tpu.memory_space<vmem>> -> memref<1x1x128xf32, #tpu.memory_space<vmem>>
      %get3A_270 = tpu.memref_squeeze %get3A_269 : memref<1x1x128xf32, #tpu.memory_space<vmem>> -> memref<1x128xf32, #tpu.memory_space<vmem>>
      %get3A_271 = arith.constant 0 : i32
      %get3A_272 = tpu.memref_slice %get3A_270[%get3A_266, %get3A_271] : memref<1x128xf32, #tpu.memory_space<vmem>> -> memref<1x128xf32, #tpu.memory_space<vmem>>
      %get3A_273 = tpu.memref_squeeze %get3A_272 : memref<1x128xf32, #tpu.memory_space<vmem>> -> memref<128xf32, #tpu.memory_space<vmem>>
      %get3A_274 = arith.constant 80 : index
      %get3A_275 = tpu.vector_load %get3A_273[%get3A_274] {strides = array<i32>} : memref<128xf32, #tpu.memory_space<vmem>>, vector<16xf32>,
      %get3A_276 = vector.shape_cast %get3A_275 : vector<16xf32> to vector<16xf32>
      %sub3A_277 = arith.subf %get3A_276, %get3A_276 : vector<16xf32>
      %swap3A_278 = arith.constant 0 : i32
      %swap3A_279 = arith.constant 0 : i32
      %swap3A_280 = arith.constant 0 : i32
      %swap3A_281 = tpu.memref_slice %arg8[%scan3A_148, %swap3A_279, %swap3A_280] : memref<200x1x128xf32, #tpu.memory_space<vmem>> -> memref<1x1x128xf32, #tpu.memory_space<vmem>>
      %swap3A_282 = tpu.memref_squeeze %swap3A_281 : memref<1x1x128xf32, #tpu.memory_space<vmem>> -> memref<1x128xf32, #tpu.memory_space<vmem>>
      %swap3A_283 = arith.constant 0 : i32
      %swap3A_284 = tpu.memref_slice %swap3A_282[%swap3A_278, %swap3A_283] : memref<1x128xf32, #tpu.memory_space<vmem>> -> memref<1x128xf32, #tpu.memory_space<vmem>>
      %swap3A_285 = tpu.memref_squeeze %swap3A_284 : memref<1x128xf32, #tpu.memory_space<vmem>> -> memref<128xf32, #tpu.memory_space<vmem>>
      %swap3A_286 = arith.constant 80 : index
      %swap3A_287 = tpu.vector_load %swap3A_285[%swap3A_286] {strides = array<i32>} : memref<128xf32, #tpu.memory_space<vmem>>, vector<16xf32>,
      %swap3A_288 = vector.shape_cast %swap3A_287 : vector<16xf32> to vector<16xf32>
      %swap3A_289 = vector.shape_cast %sub3A_277 : vector<16xf32> to vector<16xf32>
      tpu.vector_store %swap3A_285[%swap3A_286], %swap3A_289 {strides = array<i32>} : memref<128xf32, #tpu.memory_space<vmem>>, vector<16xf32>,
      %get3A_290 = arith.constant 0 : i32
      %get3A_291 = arith.constant 0 : i32
      %get3A_292 = arith.constant 0 : i32
      %get3A_293 = tpu.memref_slice %arg8[%scan3A_148, %get3A_291, %get3A_292] : memref<200x1x128xf32, #tpu.memory_space<vmem>> -> memref<1x1x128xf32, #tpu.memory_space<vmem>>
      %get3A_294 = tpu.memref_squeeze %get3A_293 : memref<1x1x128xf32, #tpu.memory_space<vmem>> -> memref<1x128xf32, #tpu.memory_space<vmem>>
      %get3A_295 = arith.constant 0 : i32
      %get3A_296 = tpu.memref_slice %get3A_294[%get3A_290, %get3A_295] : memref<1x128xf32, #tpu.memory_space<vmem>> -> memref<1x128xf32, #tpu.memory_space<vmem>>
      %get3A_297 = tpu.memref_squeeze %get3A_296 : memref<1x128xf32, #tpu.memory_space<vmem>> -> memref<128xf32, #tpu.memory_space<vmem>>
      %get3A_298 = arith.constant 96 : index
      %get3A_299 = tpu.vector_load %get3A_297[%get3A_298] {strides = array<i32>} : memref<128xf32, #tpu.memory_space<vmem>>, vector<16xf32>,
      %get3A_300 = vector.shape_cast %get3A_299 : vector<16xf32> to vector<16xf32>
      %sub3A_301 = arith.subf %get3A_300, %get3A_300 : vector<16xf32>
      %swap3A_302 = arith.constant 0 : i32
      %swap3A_303 = arith.constant 0 : i32
      %swap3A_304 = arith.constant 0 : i32
      %swap3A_305 = tpu.memref_slice %arg8[%scan3A_148, %swap3A_303, %swap3A_304] : memref<200x1x128xf32, #tpu.memory_space<vmem>> -> memref<1x1x128xf32, #tpu.memory_space<vmem>>
      %swap3A_306 = tpu.memref_squeeze %swap3A_305 : memref<1x1x128xf32, #tpu.memory_space<vmem>> -> memref<1x128xf32, #tpu.memory_space<vmem>>
      %swap3A_307 = arith.constant 0 : i32
      %swap3A_308 = tpu.memref_slice %swap3A_306[%swap3A_302, %swap3A_307] : memref<1x128xf32, #tpu.memory_space<vmem>> -> memref<1x128xf32, #tpu.memory_space<vmem>>
      %swap3A_309 = tpu.memref_squeeze %swap3A_308 : memref<1x128xf32, #tpu.memory_space<vmem>> -> memref<128xf32, #tpu.memory_space<vmem>>
      %swap3A_310 = arith.constant 96 : index
      %swap3A_311 = tpu.vector_load %swap3A_309[%swap3A_310] {strides = array<i32>} : memref<128xf32, #tpu.memory_space<vmem>>, vector<16xf32>,
      %swap3A_312 = vector.shape_cast %swap3A_311 : vector<16xf32> to vector<16xf32>
      %swap3A_313 = vector.shape_cast %sub3A_301 : vector<16xf32> to vector<16xf32>
      tpu.vector_store %swap3A_309[%swap3A_310], %swap3A_313 {strides = array<i32>} : memref<128xf32, #tpu.memory_space<vmem>>, vector<16xf32>,
      %get3A_314 = arith.constant 0 : i32
      %get3A_315 = arith.constant 0 : i32
      %get3A_316 = arith.constant 0 : i32
      %get3A_317 = tpu.memref_slice %arg8[%scan3A_148, %get3A_315, %get3A_316] : memref<200x1x128xf32, #tpu.memory_space<vmem>> -> memref<1x1x128xf32, #tpu.memory_space<vmem>>
      %get3A_318 = tpu.memref_squeeze %get3A_317 : memref<1x1x128xf32, #tpu.memory_space<vmem>> -> memref<1x128xf32, #tpu.memory_space<vmem>>
      %get3A_319 = arith.constant 0 : i32
      %get3A_320 = tpu.memref_slice %get3A_318[%get3A_314, %get3A_319] : memref<1x128xf32, #tpu.memory_space<vmem>> -> memref<1x128xf32, #tpu.memory_space<vmem>>
      %get3A_321 = tpu.memref_squeeze %get3A_320 : memref<1x128xf32, #tpu.memory_space<vmem>> -> memref<128xf32, #tpu.memory_space<vmem>>
      %get3A_322 = arith.constant 112 : index
      %get3A_323 = tpu.vector_load %get3A_321[%get3A_322] {strides = array<i32>} : memref<128xf32, #tpu.memory_space<vmem>>, vector<16xf32>,
      %get3A_324 = vector.shape_cast %get3A_323 : vector<16xf32> to vector<16xf32>
      %sub3A_325 = arith.subf %get3A_324, %get3A_324 : vector<16xf32>
      %swap3A_326 = arith.constant 0 : i32
      %swap3A_327 = arith.constant 0 : i32
      %swap3A_328 = arith.constant 0 : i32
      %swap3A_329 = tpu.memref_slice %arg8[%scan3A_148, %swap3A_327, %swap3A_328] : memref<200x1x128xf32, #tpu.memory_space<vmem>> -> memref<1x1x128xf32, #tpu.memory_space<vmem>>
      %swap3A_330 = tpu.memref_squeeze %swap3A_329 : memref<1x1x128xf32, #tpu.memory_space<vmem>> -> memref<1x128xf32, #tpu.memory_space<vmem>>
      %swap3A_331 = arith.constant 0 : i32
      %swap3A_332 = tpu.memref_slice %swap3A_330[%swap3A_326, %swap3A_331] : memref<1x128xf32, #tpu.memory_space<vmem>> -> memref<1x128xf32, #tpu.memory_space<vmem>>
      %swap3A_333 = tpu.memref_squeeze %swap3A_332 : memref<1x128xf32, #tpu.memory_space<vmem>> -> memref<128xf32, #tpu.memory_space<vmem>>
      %swap3A_334 = arith.constant 112 : index
      %swap3A_335 = tpu.vector_load %swap3A_333[%swap3A_334] {strides = array<i32>} : memref<128xf32, #tpu.memory_space<vmem>>, vector<16xf32>,
      %swap3A_336 = vector.shape_cast %swap3A_335 : vector<16xf32> to vector<16xf32>
      %swap3A_337 = vector.shape_cast %sub3A_325 : vector<16xf32> to vector<16xf32>
      tpu.vector_store %swap3A_333[%swap3A_334], %swap3A_337 {strides = array<i32>} : memref<128xf32, #tpu.memory_space<vmem>>, vector<16xf32>,
    }
    %scan3A_68 = arith.constant 200 : i32
    %add3A_69 = arith.constant 128 : i32
    %add3A_70 = arith.addi %mul3A_2, %add3A_69 : i32
    %dma_start3A_71 = arith.constant 0 : i32
    %dma_start3A_72 = arith.constant 0 : i32
    %dma_start3A_73 = tpu.memref_slice %arg4[%dma_start3A_71, %dma_start3A_72, %add3A_70] : memref<200x1x16384xf32, #tpu.memory_space<hbm>> -> memref<200x1x128xf32, #tpu.memory_space<hbm>>
    %dma_start3A_74 = arith.constant 0 : i32
    %dma_start3A_75 = arith.constant 0 : i32
    %dma_start3A_76 = tpu.memref_slice %arg4[%dma_start3A_74, %dma_start3A_75, %add3A_70] : memref<200x1x16384xf32, #tpu.memory_space<hbm>> -> memref<200x1x128xf32, #tpu.memory_space<hbm>>
    tpu.enqueue_dma source(%arg8 : memref<200x1x128xf32, #tpu.memory_space<vmem>>) target(%dma_start3A_76 : memref<200x1x128xf32, #tpu.memory_space<hbm>>) target_semaphore(%arg12 : memref<!tpu.dma_semaphore, #tpu.memory_space<semaphore_mem>>)
    %dma_wait3A_77 = arith.constant 0 : i32
    %dma_wait3A_78 = arith.constant 0 : i32
    %dma_wait3A_79 = tpu.memref_slice %arg4[%dma_wait3A_77, %dma_wait3A_78, %add3A_70] : memref<200x1x16384xf32, #tpu.memory_space<hbm>> -> memref<200x1x128xf32, #tpu.memory_space<hbm>>
    %dma_wait3A_80 = arith.constant 0 : i32
    %dma_wait3A_81 = arith.constant 0 : i32
    %dma_wait3A_82 = tpu.memref_slice %arg4[%dma_wait3A_80, %dma_wait3A_81, %add3A_70] : memref<200x1x16384xf32, #tpu.memory_space<hbm>> -> memref<200x1x128xf32, #tpu.memory_space<hbm>>
    tpu.wait_dma2 semaphore(%arg12 : memref<!tpu.dma_semaphore, #tpu.memory_space<semaphore_mem>>) src(%arg8 : memref<200x1x128xf32, #tpu.memory_space<vmem>>) dst(%dma_wait3A_82 : memref<200x1x128xf32, #tpu.memory_space<hbm>>)
    %add3A_83 = arith.constant 384 : i32
    %add3A_84 = arith.addi %mul3A_2, %add3A_83 : i32
    "tpu.region"() ({
      %run_scoped3A = tpu.sem_alloc : memref<!tpu.dma_semaphore, #tpu.memory_space<semaphore_mem>>
      %dma_start3A_148 = arith.constant 0 : i32
      %dma_start3A_149 = tpu.memref_slice %arg2[%dma_start3A_148, %add3A_84] : memref<200x16384xi32, #tpu.memory_space<hbm>> -> memref<200x128xi32, #tpu.memory_space<hbm>>
      %dma_start3A_150 = arith.constant 0 : i32
      %dma_start3A_151 = tpu.memref_slice %arg2[%dma_start3A_150, %add3A_84] : memref<200x16384xi32, #tpu.memory_space<hbm>> -> memref<200x128xi32, #tpu.memory_space<hbm>>
      tpu.enqueue_dma source(%dma_start3A_151 : memref<200x128xi32, #tpu.memory_space<hbm>>) target(%arg6 : memref<200x128xi32, #tpu.memory_space<vmem>>) target_semaphore(%run_scoped3A : memref<!tpu.dma_semaphore, #tpu.memory_space<semaphore_mem>>)
      %dma_wait3A_152 = arith.constant 0 : i32
      %dma_wait3A_153 = tpu.memref_slice %arg2[%dma_wait3A_152, %add3A_84] : memref<200x16384xi32, #tpu.memory_space<hbm>> -> memref<200x128xi32, #tpu.memory_space<hbm>>
      %dma_wait3A_154 = arith.constant 0 : i32
      %dma_wait3A_155 = tpu.memref_slice %arg2[%dma_wait3A_154, %add3A_84] : memref<200x16384xi32, #tpu.memory_space<hbm>> -> memref<200x128xi32, #tpu.memory_space<hbm>>
      tpu.wait_dma2 semaphore(%run_scoped3A : memref<!tpu.dma_semaphore, #tpu.memory_space<semaphore_mem>>) src(%dma_wait3A_155 : memref<200x128xi32, #tpu.memory_space<hbm>>) dst(%arg6 : memref<200x128xi32, #tpu.memory_space<vmem>>)
      tpu.yield
    }) : () -> ()
    %scan3A_85 = arith.constant 0 : i32
    %scan3A_86 = arith.constant 0 : i32
    %scan3A_87 = arith.constant 0 : i32
    %scan3A_88 = arith.constant 200 : i32
    %scan3A_89 = arith.addi %scan3A_87, %scan3A_88 : i32
    %scan3A_90 = arith.constant 1 : i32
    scf.for %scan3A_148 = %scan3A_87 to %scan3A_89 step %scan3A_90  : i32 {
      %dma_start3A_149 = arith.constant 0 : i32
      %dma_start3A_150 = arith.constant 0 : i32
      %dma_start3A_151 = arith.constant 0 : i32
      %dma_start3A_152 = tpu.memref_slice %arg8[%scan3A_148, %dma_start3A_150, %dma_start3A_151] : memref<200x1x128xf32, #tpu.memory_space<vmem>> -> memref<1x1x128xf32, #tpu.memory_space<vmem>>
      %dma_start3A_153 = tpu.memref_squeeze %dma_start3A_152 : memref<1x1x128xf32, #tpu.memory_space<vmem>> -> memref<1x128xf32, #tpu.memory_space<vmem>>
      %dma_start3A_154 = arith.constant 0 : i32
      %dma_start3A_155 = tpu.memref_slice %dma_start3A_153[%dma_start3A_149, %dma_start3A_154] : memref<1x128xf32, #tpu.memory_space<vmem>> -> memref<1x128xf32, #tpu.memory_space<vmem>>
      %dma_start3A_156 = tpu.memref_squeeze %dma_start3A_155 : memref<1x128xf32, #tpu.memory_space<vmem>> -> memref<128xf32, #tpu.memory_space<vmem>>
      %dma_start3A_157 = arith.constant 0 : i32
      %dma_start3A_158 = tpu.memref_slice %arg6[%scan3A_148, %dma_start3A_157] : memref<200x128xi32, #tpu.memory_space<vmem>> -> memref<1x128xi32, #tpu.memory_space<vmem>>
      %dma_start3A_159 = tpu.memref_squeeze %dma_start3A_158 : memref<1x128xi32, #tpu.memory_space<vmem>> -> memref<128xi32, #tpu.memory_space<vmem>>
      %dma_start3A_160 = arith.constant 0 : i32
      %dma_start3A_161 = tpu.memref_slice %arg3[%scan3A_86, %dma_start3A_160] : memref<1x1000000xf32, #tpu.memory_space<hbm>> -> memref<1x1000000xf32, #tpu.memory_space<hbm>>
      %dma_start3A_162 = tpu.memref_squeeze %dma_start3A_161 : memref<1x1000000xf32, #tpu.memory_space<hbm>> -> memref<1000000xf32, #tpu.memory_space<hbm>>
      %dma_start3A_163 = arith.constant 0 : i32
      %dma_start3A_164 = tpu.memref_slice %dma_start3A_162[%dma_start3A_163] : memref<1000000xf32, #tpu.memory_space<hbm>> -> memref<1000000xf32, #tpu.memory_space<hbm>>
      tpu.enqueue_indirect_dma source(%dma_start3A_164 : memref<1000000xf32, #tpu.memory_space<hbm>>) target(%dma_start3A_156 : memref<128xf32, #tpu.memory_space<vmem>>) offsets(%dma_start3A_159 : memref<128xi32, #tpu.memory_space<vmem>>) semaphore(%arg10 : memref<!tpu.dma_semaphore, #tpu.memory_space<semaphore_mem>>)
    }
    %scan3A_91 = arith.constant 200 : i32
    %add3A_92 = arith.constant 256 : i32
    %add3A_93 = arith.addi %mul3A_2, %add3A_92 : i32
    %dma_wait3A_94 = arith.constant 0 : i32
    %dma_wait3A_95 = arith.constant 0 : i32
    %dma_wait3A_96 = tpu.memref_slice %arg4[%dma_wait3A_94, %dma_wait3A_95, %add3A_93] : memref<200x1x16384xf32, #tpu.memory_space<hbm>> -> memref<200x1x128xf32, #tpu.memory_space<hbm>>
    %dma_wait3A_97 = arith.constant 0 : i32
    %dma_wait3A_98 = arith.constant 0 : i32
    %dma_wait3A_99 = tpu.memref_slice %arg4[%dma_wait3A_97, %dma_wait3A_98, %add3A_93] : memref<200x1x16384xf32, #tpu.memory_space<hbm>> -> memref<200x1x128xf32, #tpu.memory_space<hbm>>
    tpu.wait_dma2 semaphore(%arg9 : memref<!tpu.dma_semaphore, #tpu.memory_space<semaphore_mem>>) src(%dma_wait3A_99 : memref<200x1x128xf32, #tpu.memory_space<hbm>>) dst(%arg7 : memref<200x1x128xf32, #tpu.memory_space<vmem>>)
    %scan3A_100 = arith.constant 0 : i32
    %scan3A_101 = arith.constant 0 : i32
    %scan3A_102 = arith.constant 200 : i32
    %scan3A_103 = arith.addi %scan3A_101, %scan3A_102 : i32
    %scan3A_104 = arith.constant 1 : i32
    scf.for %scan3A_148 = %scan3A_101 to %scan3A_103 step %scan3A_104  : i32 {
      %get3A = arith.constant 0 : i32
      %get3A_149 = arith.constant 0 : i32
      %get3A_150 = arith.constant 0 : i32
      %get3A_151 = tpu.memref_slice %arg7[%scan3A_148, %get3A_149, %get3A_150] : memref<200x1x128xf32, #tpu.memory_space<vmem>> -> memref<1x1x128xf32, #tpu.memory_space<vmem>>
      %get3A_152 = tpu.memref_squeeze %get3A_151 : memref<1x1x128xf32, #tpu.memory_space<vmem>> -> memref<1x128xf32, #tpu.memory_space<vmem>>
      %get3A_153 = arith.constant 0 : i32
      %get3A_154 = tpu.memref_slice %get3A_152[%get3A, %get3A_153] : memref<1x128xf32, #tpu.memory_space<vmem>> -> memref<1x128xf32, #tpu.memory_space<vmem>>
      %get3A_155 = tpu.memref_squeeze %get3A_154 : memref<1x128xf32, #tpu.memory_space<vmem>> -> memref<128xf32, #tpu.memory_space<vmem>>
      %get3A_156 = arith.constant 0 : index
      %get3A_157 = tpu.vector_load %get3A_155[%get3A_156] {strides = array<i32>} : memref<128xf32, #tpu.memory_space<vmem>>, vector<16xf32>,
      %get3A_158 = vector.shape_cast %get3A_157 : vector<16xf32> to vector<16xf32>
      %sub3A = arith.subf %get3A_158, %get3A_158 : vector<16xf32>
      %swap3A = arith.constant 0 : i32
      %swap3A_159 = arith.constant 0 : i32
      %swap3A_160 = arith.constant 0 : i32
      %swap3A_161 = tpu.memref_slice %arg7[%scan3A_148, %swap3A_159, %swap3A_160] : memref<200x1x128xf32, #tpu.memory_space<vmem>> -> memref<1x1x128xf32, #tpu.memory_space<vmem>>
      %swap3A_162 = tpu.memref_squeeze %swap3A_161 : memref<1x1x128xf32, #tpu.memory_space<vmem>> -> memref<1x128xf32, #tpu.memory_space<vmem>>
      %swap3A_163 = arith.constant 0 : i32
      %swap3A_164 = tpu.memref_slice %swap3A_162[%swap3A, %swap3A_163] : memref<1x128xf32, #tpu.memory_space<vmem>> -> memref<1x128xf32, #tpu.memory_space<vmem>>
      %swap3A_165 = tpu.memref_squeeze %swap3A_164 : memref<1x128xf32, #tpu.memory_space<vmem>> -> memref<128xf32, #tpu.memory_space<vmem>>
      %swap3A_166 = arith.constant 0 : index
      %swap3A_167 = tpu.vector_load %swap3A_165[%swap3A_166] {strides = array<i32>} : memref<128xf32, #tpu.memory_space<vmem>>, vector<16xf32>,
      %swap3A_168 = vector.shape_cast %swap3A_167 : vector<16xf32> to vector<16xf32>
      %swap3A_169 = vector.shape_cast %sub3A : vector<16xf32> to vector<16xf32>
      tpu.vector_store %swap3A_165[%swap3A_166], %swap3A_169 {strides = array<i32>} : memref<128xf32, #tpu.memory_space<vmem>>, vector<16xf32>,
      %get3A_170 = arith.constant 0 : i32
      %get3A_171 = arith.constant 0 : i32
      %get3A_172 = arith.constant 0 : i32
      %get3A_173 = tpu.memref_slice %arg7[%scan3A_148, %get3A_171, %get3A_172] : memref<200x1x128xf32, #tpu.memory_space<vmem>> -> memref<1x1x128xf32, #tpu.memory_space<vmem>>
      %get3A_174 = tpu.memref_squeeze %get3A_173 : memref<1x1x128xf32, #tpu.memory_space<vmem>> -> memref<1x128xf32, #tpu.memory_space<vmem>>
      %get3A_175 = arith.constant 0 : i32
      %get3A_176 = tpu.memref_slice %get3A_174[%get3A_170, %get3A_175] : memref<1x128xf32, #tpu.memory_space<vmem>> -> memref<1x128xf32, #tpu.memory_space<vmem>>
      %get3A_177 = tpu.memref_squeeze %get3A_176 : memref<1x128xf32, #tpu.memory_space<vmem>> -> memref<128xf32, #tpu.memory_space<vmem>>
      %get3A_178 = arith.constant 16 : index
      %get3A_179 = tpu.vector_load %get3A_177[%get3A_178] {strides = array<i32>} : memref<128xf32, #tpu.memory_space<vmem>>, vector<16xf32>,
      %get3A_180 = vector.shape_cast %get3A_179 : vector<16xf32> to vector<16xf32>
      %sub3A_181 = arith.subf %get3A_180, %get3A_180 : vector<16xf32>
      %swap3A_182 = arith.constant 0 : i32
      %swap3A_183 = arith.constant 0 : i32
      %swap3A_184 = arith.constant 0 : i32
      %swap3A_185 = tpu.memref_slice %arg7[%scan3A_148, %swap3A_183, %swap3A_184] : memref<200x1x128xf32, #tpu.memory_space<vmem>> -> memref<1x1x128xf32, #tpu.memory_space<vmem>>
      %swap3A_186 = tpu.memref_squeeze %swap3A_185 : memref<1x1x128xf32, #tpu.memory_space<vmem>> -> memref<1x128xf32, #tpu.memory_space<vmem>>
      %swap3A_187 = arith.constant 0 : i32
      %swap3A_188 = tpu.memref_slice %swap3A_186[%swap3A_182, %swap3A_187] : memref<1x128xf32, #tpu.memory_space<vmem>> -> memref<1x128xf32, #tpu.memory_space<vmem>>
      %swap3A_189 = tpu.memref_squeeze %swap3A_188 : memref<1x128xf32, #tpu.memory_space<vmem>> -> memref<128xf32, #tpu.memory_space<vmem>>
      %swap3A_190 = arith.constant 16 : index
      %swap3A_191 = tpu.vector_load %swap3A_189[%swap3A_190] {strides = array<i32>} : memref<128xf32, #tpu.memory_space<vmem>>, vector<16xf32>,
      %swap3A_192 = vector.shape_cast %swap3A_191 : vector<16xf32> to vector<16xf32>
      %swap3A_193 = vector.shape_cast %sub3A_181 : vector<16xf32> to vector<16xf32>
      tpu.vector_store %swap3A_189[%swap3A_190], %swap3A_193 {strides = array<i32>} : memref<128xf32, #tpu.memory_space<vmem>>, vector<16xf32>,
      %get3A_194 = arith.constant 0 : i32
      %get3A_195 = arith.constant 0 : i32
      %get3A_196 = arith.constant 0 : i32
      %get3A_197 = tpu.memref_slice %arg7[%scan3A_148, %get3A_195, %get3A_196] : memref<200x1x128xf32, #tpu.memory_space<vmem>> -> memref<1x1x128xf32, #tpu.memory_space<vmem>>
      %get3A_198 = tpu.memref_squeeze %get3A_197 : memref<1x1x128xf32, #tpu.memory_space<vmem>> -> memref<1x128xf32, #tpu.memory_space<vmem>>
      %get3A_199 = arith.constant 0 : i32
      %get3A_200 = tpu.memref_slice %get3A_198[%get3A_194, %get3A_199] : memref<1x128xf32, #tpu.memory_space<vmem>> -> memref<1x128xf32, #tpu.memory_space<vmem>>
      %get3A_201 = tpu.memref_squeeze %get3A_200 : memref<1x128xf32, #tpu.memory_space<vmem>> -> memref<128xf32, #tpu.memory_space<vmem>>
      %get3A_202 = arith.constant 32 : index
      %get3A_203 = tpu.vector_load %get3A_201[%get3A_202] {strides = array<i32>} : memref<128xf32, #tpu.memory_space<vmem>>, vector<16xf32>,
      %get3A_204 = vector.shape_cast %get3A_203 : vector<16xf32> to vector<16xf32>
      %sub3A_205 = arith.subf %get3A_204, %get3A_204 : vector<16xf32>
      %swap3A_206 = arith.constant 0 : i32
      %swap3A_207 = arith.constant 0 : i32
      %swap3A_208 = arith.constant 0 : i32
      %swap3A_209 = tpu.memref_slice %arg7[%scan3A_148, %swap3A_207, %swap3A_208] : memref<200x1x128xf32, #tpu.memory_space<vmem>> -> memref<1x1x128xf32, #tpu.memory_space<vmem>>
      %swap3A_210 = tpu.memref_squeeze %swap3A_209 : memref<1x1x128xf32, #tpu.memory_space<vmem>> -> memref<1x128xf32, #tpu.memory_space<vmem>>
      %swap3A_211 = arith.constant 0 : i32
      %swap3A_212 = tpu.memref_slice %swap3A_210[%swap3A_206, %swap3A_211] : memref<1x128xf32, #tpu.memory_space<vmem>> -> memref<1x128xf32, #tpu.memory_space<vmem>>
      %swap3A_213 = tpu.memref_squeeze %swap3A_212 : memref<1x128xf32, #tpu.memory_space<vmem>> -> memref<128xf32, #tpu.memory_space<vmem>>
      %swap3A_214 = arith.constant 32 : index
      %swap3A_215 = tpu.vector_load %swap3A_213[%swap3A_214] {strides = array<i32>} : memref<128xf32, #tpu.memory_space<vmem>>, vector<16xf32>,
      %swap3A_216 = vector.shape_cast %swap3A_215 : vector<16xf32> to vector<16xf32>
      %swap3A_217 = vector.shape_cast %sub3A_205 : vector<16xf32> to vector<16xf32>
      tpu.vector_store %swap3A_213[%swap3A_214], %swap3A_217 {strides = array<i32>} : memref<128xf32, #tpu.memory_space<vmem>>, vector<16xf32>,
      %get3A_218 = arith.constant 0 : i32
      %get3A_219 = arith.constant 0 : i32
      %get3A_220 = arith.constant 0 : i32
      %get3A_221 = tpu.memref_slice %arg7[%scan3A_148, %get3A_219, %get3A_220] : memref<200x1x128xf32, #tpu.memory_space<vmem>> -> memref<1x1x128xf32, #tpu.memory_space<vmem>>
      %get3A_222 = tpu.memref_squeeze %get3A_221 : memref<1x1x128xf32, #tpu.memory_space<vmem>> -> memref<1x128xf32, #tpu.memory_space<vmem>>
      %get3A_223 = arith.constant 0 : i32
      %get3A_224 = tpu.memref_slice %get3A_222[%get3A_218, %get3A_223] : memref<1x128xf32, #tpu.memory_space<vmem>> -> memref<1x128xf32, #tpu.memory_space<vmem>>
      %get3A_225 = tpu.memref_squeeze %get3A_224 : memref<1x128xf32, #tpu.memory_space<vmem>> -> memref<128xf32, #tpu.memory_space<vmem>>
      %get3A_226 = arith.constant 48 : index
      %get3A_227 = tpu.vector_load %get3A_225[%get3A_226] {strides = array<i32>} : memref<128xf32, #tpu.memory_space<vmem>>, vector<16xf32>,
      %get3A_228 = vector.shape_cast %get3A_227 : vector<16xf32> to vector<16xf32>
      %sub3A_229 = arith.subf %get3A_228, %get3A_228 : vector<16xf32>
      %swap3A_230 = arith.constant 0 : i32
      %swap3A_231 = arith.constant 0 : i32
      %swap3A_232 = arith.constant 0 : i32
      %swap3A_233 = tpu.memref_slice %arg7[%scan3A_148, %swap3A_231, %swap3A_232] : memref<200x1x128xf32, #tpu.memory_space<vmem>> -> memref<1x1x128xf32, #tpu.memory_space<vmem>>
      %swap3A_234 = tpu.memref_squeeze %swap3A_233 : memref<1x1x128xf32, #tpu.memory_space<vmem>> -> memref<1x128xf32, #tpu.memory_space<vmem>>
      %swap3A_235 = arith.constant 0 : i32
      %swap3A_236 = tpu.memref_slice %swap3A_234[%swap3A_230, %swap3A_235] : memref<1x128xf32, #tpu.memory_space<vmem>> -> memref<1x128xf32, #tpu.memory_space<vmem>>
      %swap3A_237 = tpu.memref_squeeze %swap3A_236 : memref<1x128xf32, #tpu.memory_space<vmem>> -> memref<128xf32, #tpu.memory_space<vmem>>
      %swap3A_238 = arith.constant 48 : index
      %swap3A_239 = tpu.vector_load %swap3A_237[%swap3A_238] {strides = array<i32>} : memref<128xf32, #tpu.memory_space<vmem>>, vector<16xf32>,
      %swap3A_240 = vector.shape_cast %swap3A_239 : vector<16xf32> to vector<16xf32>
      %swap3A_241 = vector.shape_cast %sub3A_229 : vector<16xf32> to vector<16xf32>
      tpu.vector_store %swap3A_237[%swap3A_238], %swap3A_241 {strides = array<i32>} : memref<128xf32, #tpu.memory_space<vmem>>, vector<16xf32>,
      %get3A_242 = arith.constant 0 : i32
      %get3A_243 = arith.constant 0 : i32
      %get3A_244 = arith.constant 0 : i32
      %get3A_245 = tpu.memref_slice %arg7[%scan3A_148, %get3A_243, %get3A_244] : memref<200x1x128xf32, #tpu.memory_space<vmem>> -> memref<1x1x128xf32, #tpu.memory_space<vmem>>
      %get3A_246 = tpu.memref_squeeze %get3A_245 : memref<1x1x128xf32, #tpu.memory_space<vmem>> -> memref<1x128xf32, #tpu.memory_space<vmem>>
      %get3A_247 = arith.constant 0 : i32
      %get3A_248 = tpu.memref_slice %get3A_246[%get3A_242, %get3A_247] : memref<1x128xf32, #tpu.memory_space<vmem>> -> memref<1x128xf32, #tpu.memory_space<vmem>>
      %get3A_249 = tpu.memref_squeeze %get3A_248 : memref<1x128xf32, #tpu.memory_space<vmem>> -> memref<128xf32, #tpu.memory_space<vmem>>
      %get3A_250 = arith.constant 64 : index
      %get3A_251 = tpu.vector_load %get3A_249[%get3A_250] {strides = array<i32>} : memref<128xf32, #tpu.memory_space<vmem>>, vector<16xf32>,
      %get3A_252 = vector.shape_cast %get3A_251 : vector<16xf32> to vector<16xf32>
      %sub3A_253 = arith.subf %get3A_252, %get3A_252 : vector<16xf32>
      %swap3A_254 = arith.constant 0 : i32
      %swap3A_255 = arith.constant 0 : i32
      %swap3A_256 = arith.constant 0 : i32
      %swap3A_257 = tpu.memref_slice %arg7[%scan3A_148, %swap3A_255, %swap3A_256] : memref<200x1x128xf32, #tpu.memory_space<vmem>> -> memref<1x1x128xf32, #tpu.memory_space<vmem>>
      %swap3A_258 = tpu.memref_squeeze %swap3A_257 : memref<1x1x128xf32, #tpu.memory_space<vmem>> -> memref<1x128xf32, #tpu.memory_space<vmem>>
      %swap3A_259 = arith.constant 0 : i32
      %swap3A_260 = tpu.memref_slice %swap3A_258[%swap3A_254, %swap3A_259] : memref<1x128xf32, #tpu.memory_space<vmem>> -> memref<1x128xf32, #tpu.memory_space<vmem>>
      %swap3A_261 = tpu.memref_squeeze %swap3A_260 : memref<1x128xf32, #tpu.memory_space<vmem>> -> memref<128xf32, #tpu.memory_space<vmem>>
      %swap3A_262 = arith.constant 64 : index
      %swap3A_263 = tpu.vector_load %swap3A_261[%swap3A_262] {strides = array<i32>} : memref<128xf32, #tpu.memory_space<vmem>>, vector<16xf32>,
      %swap3A_264 = vector.shape_cast %swap3A_263 : vector<16xf32> to vector<16xf32>
      %swap3A_265 = vector.shape_cast %sub3A_253 : vector<16xf32> to vector<16xf32>
      tpu.vector_store %swap3A_261[%swap3A_262], %swap3A_265 {strides = array<i32>} : memref<128xf32, #tpu.memory_space<vmem>>, vector<16xf32>,
      %get3A_266 = arith.constant 0 : i32
      %get3A_267 = arith.constant 0 : i32
      %get3A_268 = arith.constant 0 : i32
      %get3A_269 = tpu.memref_slice %arg7[%scan3A_148, %get3A_267, %get3A_268] : memref<200x1x128xf32, #tpu.memory_space<vmem>> -> memref<1x1x128xf32, #tpu.memory_space<vmem>>
      %get3A_270 = tpu.memref_squeeze %get3A_269 : memref<1x1x128xf32, #tpu.memory_space<vmem>> -> memref<1x128xf32, #tpu.memory_space<vmem>>
      %get3A_271 = arith.constant 0 : i32
      %get3A_272 = tpu.memref_slice %get3A_270[%get3A_266, %get3A_271] : memref<1x128xf32, #tpu.memory_space<vmem>> -> memref<1x128xf32, #tpu.memory_space<vmem>>
      %get3A_273 = tpu.memref_squeeze %get3A_272 : memref<1x128xf32, #tpu.memory_space<vmem>> -> memref<128xf32, #tpu.memory_space<vmem>>
      %get3A_274 = arith.constant 80 : index
      %get3A_275 = tpu.vector_load %get3A_273[%get3A_274] {strides = array<i32>} : memref<128xf32, #tpu.memory_space<vmem>>, vector<16xf32>,
      %get3A_276 = vector.shape_cast %get3A_275 : vector<16xf32> to vector<16xf32>
      %sub3A_277 = arith.subf %get3A_276, %get3A_276 : vector<16xf32>
      %swap3A_278 = arith.constant 0 : i32
      %swap3A_279 = arith.constant 0 : i32
      %swap3A_280 = arith.constant 0 : i32
      %swap3A_281 = tpu.memref_slice %arg7[%scan3A_148, %swap3A_279, %swap3A_280] : memref<200x1x128xf32, #tpu.memory_space<vmem>> -> memref<1x1x128xf32, #tpu.memory_space<vmem>>
      %swap3A_282 = tpu.memref_squeeze %swap3A_281 : memref<1x1x128xf32, #tpu.memory_space<vmem>> -> memref<1x128xf32, #tpu.memory_space<vmem>>
      %swap3A_283 = arith.constant 0 : i32
      %swap3A_284 = tpu.memref_slice %swap3A_282[%swap3A_278, %swap3A_283] : memref<1x128xf32, #tpu.memory_space<vmem>> -> memref<1x128xf32, #tpu.memory_space<vmem>>
      %swap3A_285 = tpu.memref_squeeze %swap3A_284 : memref<1x128xf32, #tpu.memory_space<vmem>> -> memref<128xf32, #tpu.memory_space<vmem>>
      %swap3A_286 = arith.constant 80 : index
      %swap3A_287 = tpu.vector_load %swap3A_285[%swap3A_286] {strides = array<i32>} : memref<128xf32, #tpu.memory_space<vmem>>, vector<16xf32>,
      %swap3A_288 = vector.shape_cast %swap3A_287 : vector<16xf32> to vector<16xf32>
      %swap3A_289 = vector.shape_cast %sub3A_277 : vector<16xf32> to vector<16xf32>
      tpu.vector_store %swap3A_285[%swap3A_286], %swap3A_289 {strides = array<i32>} : memref<128xf32, #tpu.memory_space<vmem>>, vector<16xf32>,
      %get3A_290 = arith.constant 0 : i32
      %get3A_291 = arith.constant 0 : i32
      %get3A_292 = arith.constant 0 : i32
      %get3A_293 = tpu.memref_slice %arg7[%scan3A_148, %get3A_291, %get3A_292] : memref<200x1x128xf32, #tpu.memory_space<vmem>> -> memref<1x1x128xf32, #tpu.memory_space<vmem>>
      %get3A_294 = tpu.memref_squeeze %get3A_293 : memref<1x1x128xf32, #tpu.memory_space<vmem>> -> memref<1x128xf32, #tpu.memory_space<vmem>>
      %get3A_295 = arith.constant 0 : i32
      %get3A_296 = tpu.memref_slice %get3A_294[%get3A_290, %get3A_295] : memref<1x128xf32, #tpu.memory_space<vmem>> -> memref<1x128xf32, #tpu.memory_space<vmem>>
      %get3A_297 = tpu.memref_squeeze %get3A_296 : memref<1x128xf32, #tpu.memory_space<vmem>> -> memref<128xf32, #tpu.memory_space<vmem>>
      %get3A_298 = arith.constant 96 : index
      %get3A_299 = tpu.vector_load %get3A_297[%get3A_298] {strides = array<i32>} : memref<128xf32, #tpu.memory_space<vmem>>, vector<16xf32>,
      %get3A_300 = vector.shape_cast %get3A_299 : vector<16xf32> to vector<16xf32>
      %sub3A_301 = arith.subf %get3A_300, %get3A_300 : vector<16xf32>
      %swap3A_302 = arith.constant 0 : i32
      %swap3A_303 = arith.constant 0 : i32
      %swap3A_304 = arith.constant 0 : i32
      %swap3A_305 = tpu.memref_slice %arg7[%scan3A_148, %swap3A_303, %swap3A_304] : memref<200x1x128xf32, #tpu.memory_space<vmem>> -> memref<1x1x128xf32, #tpu.memory_space<vmem>>
      %swap3A_306 = tpu.memref_squeeze %swap3A_305 : memref<1x1x128xf32, #tpu.memory_space<vmem>> -> memref<1x128xf32, #tpu.memory_space<vmem>>
      %swap3A_307 = arith.constant 0 : i32
      %swap3A_308 = tpu.memref_slice %swap3A_306[%swap3A_302, %swap3A_307] : memref<1x128xf32, #tpu.memory_space<vmem>> -> memref<1x128xf32, #tpu.memory_space<vmem>>
      %swap3A_309 = tpu.memref_squeeze %swap3A_308 : memref<1x128xf32, #tpu.memory_space<vmem>> -> memref<128xf32, #tpu.memory_space<vmem>>
      %swap3A_310 = arith.constant 96 : index
      %swap3A_311 = tpu.vector_load %swap3A_309[%swap3A_310] {strides = array<i32>} : memref<128xf32, #tpu.memory_space<vmem>>, vector<16xf32>,
      %swap3A_312 = vector.shape_cast %swap3A_311 : vector<16xf32> to vector<16xf32>
      %swap3A_313 = vector.shape_cast %sub3A_301 : vector<16xf32> to vector<16xf32>
      tpu.vector_store %swap3A_309[%swap3A_310], %swap3A_313 {strides = array<i32>} : memref<128xf32, #tpu.memory_space<vmem>>, vector<16xf32>,
      %get3A_314 = arith.constant 0 : i32
      %get3A_315 = arith.constant 0 : i32
      %get3A_316 = arith.constant 0 : i32
      %get3A_317 = tpu.memref_slice %arg7[%scan3A_148, %get3A_315, %get3A_316] : memref<200x1x128xf32, #tpu.memory_space<vmem>> -> memref<1x1x128xf32, #tpu.memory_space<vmem>>
      %get3A_318 = tpu.memref_squeeze %get3A_317 : memref<1x1x128xf32, #tpu.memory_space<vmem>> -> memref<1x128xf32, #tpu.memory_space<vmem>>
      %get3A_319 = arith.constant 0 : i32
      %get3A_320 = tpu.memref_slice %get3A_318[%get3A_314, %get3A_319] : memref<1x128xf32, #tpu.memory_space<vmem>> -> memref<1x128xf32, #tpu.memory_space<vmem>>
      %get3A_321 = tpu.memref_squeeze %get3A_320 : memref<1x128xf32, #tpu.memory_space<vmem>> -> memref<128xf32, #tpu.memory_space<vmem>>
      %get3A_322 = arith.constant 112 : index
      %get3A_323 = tpu.vector_load %get3A_321[%get3A_322] {strides = array<i32>} : memref<128xf32, #tpu.memory_space<vmem>>, vector<16xf32>,
      %get3A_324 = vector.shape_cast %get3A_323 : vector<16xf32> to vector<16xf32>
      %sub3A_325 = arith.subf %get3A_324, %get3A_324 : vector<16xf32>
      %swap3A_326 = arith.constant 0 : i32
      %swap3A_327 = arith.constant 0 : i32
      %swap3A_328 = arith.constant 0 : i32
      %swap3A_329 = tpu.memref_slice %arg7[%scan3A_148, %swap3A_327, %swap3A_328] : memref<200x1x128xf32, #tpu.memory_space<vmem>> -> memref<1x1x128xf32, #tpu.memory_space<vmem>>
      %swap3A_330 = tpu.memref_squeeze %swap3A_329 : memref<1x1x128xf32, #tpu.memory_space<vmem>> -> memref<1x128xf32, #tpu.memory_space<vmem>>
      %swap3A_331 = arith.constant 0 : i32
      %swap3A_332 = tpu.memref_slice %swap3A_330[%swap3A_326, %swap3A_331] : memref<1x128xf32, #tpu.memory_space<vmem>> -> memref<1x128xf32, #tpu.memory_space<vmem>>
      %swap3A_333 = tpu.memref_squeeze %swap3A_332 : memref<1x128xf32, #tpu.memory_space<vmem>> -> memref<128xf32, #tpu.memory_space<vmem>>
      %swap3A_334 = arith.constant 112 : index
      %swap3A_335 = tpu.vector_load %swap3A_333[%swap3A_334] {strides = array<i32>} : memref<128xf32, #tpu.memory_space<vmem>>, vector<16xf32>,
      %swap3A_336 = vector.shape_cast %swap3A_335 : vector<16xf32> to vector<16xf32>
      %swap3A_337 = vector.shape_cast %sub3A_325 : vector<16xf32> to vector<16xf32>
      tpu.vector_store %swap3A_333[%swap3A_334], %swap3A_337 {strides = array<i32>} : memref<128xf32, #tpu.memory_space<vmem>>, vector<16xf32>,
    }
    %scan3A_105 = arith.constant 200 : i32
    %add3A_106 = arith.constant 256 : i32
    %add3A_107 = arith.addi %mul3A_2, %add3A_106 : i32
    %dma_start3A_108 = arith.constant 0 : i32
    %dma_start3A_109 = arith.constant 0 : i32
    %dma_start3A_110 = tpu.memref_slice %arg4[%dma_start3A_108, %dma_start3A_109, %add3A_107] : memref<200x1x16384xf32, #tpu.memory_space<hbm>> -> memref<200x1x128xf32, #tpu.memory_space<hbm>>
    %dma_start3A_111 = arith.constant 0 : i32
    %dma_start3A_112 = arith.constant 0 : i32
    %dma_start3A_113 = tpu.memref_slice %arg4[%dma_start3A_111, %dma_start3A_112, %add3A_107] : memref<200x1x16384xf32, #tpu.memory_space<hbm>> -> memref<200x1x128xf32, #tpu.memory_space<hbm>>
    tpu.enqueue_dma source(%arg7 : memref<200x1x128xf32, #tpu.memory_space<vmem>>) target(%dma_start3A_113 : memref<200x1x128xf32, #tpu.memory_space<hbm>>) target_semaphore(%arg11 : memref<!tpu.dma_semaphore, #tpu.memory_space<semaphore_mem>>)
    %add3A_114 = arith.constant 384 : i32
    %add3A_115 = arith.addi %mul3A_2, %add3A_114 : i32
    %dma_wait3A_116 = arith.constant 0 : i32
    %dma_wait3A_117 = arith.constant 0 : i32
    %dma_wait3A_118 = tpu.memref_slice %arg4[%dma_wait3A_116, %dma_wait3A_117, %add3A_115] : memref<200x1x16384xf32, #tpu.memory_space<hbm>> -> memref<200x1x128xf32, #tpu.memory_space<hbm>>
    %dma_wait3A_119 = arith.constant 0 : i32
    %dma_wait3A_120 = arith.constant 0 : i32
    %dma_wait3A_121 = tpu.memref_slice %arg4[%dma_wait3A_119, %dma_wait3A_120, %add3A_115] : memref<200x1x16384xf32, #tpu.memory_space<hbm>> -> memref<200x1x128xf32, #tpu.memory_space<hbm>>
    tpu.wait_dma2 semaphore(%arg10 : memref<!tpu.dma_semaphore, #tpu.memory_space<semaphore_mem>>) src(%dma_wait3A_121 : memref<200x1x128xf32, #tpu.memory_space<hbm>>) dst(%arg8 : memref<200x1x128xf32, #tpu.memory_space<vmem>>)
    %scan3A_122 = arith.constant 0 : i32
    %scan3A_123 = arith.constant 0 : i32
    %scan3A_124 = arith.constant 200 : i32
    %scan3A_125 = arith.addi %scan3A_123, %scan3A_124 : i32
    %scan3A_126 = arith.constant 1 : i32
    scf.for %scan3A_148 = %scan3A_123 to %scan3A_125 step %scan3A_126  : i32 {
      %get3A = arith.constant 0 : i32
      %get3A_149 = arith.constant 0 : i32
      %get3A_150 = arith.constant 0 : i32
      %get3A_151 = tpu.memref_slice %arg8[%scan3A_148, %get3A_149, %get3A_150] : memref<200x1x128xf32, #tpu.memory_space<vmem>> -> memref<1x1x128xf32, #tpu.memory_space<vmem>>
      %get3A_152 = tpu.memref_squeeze %get3A_151 : memref<1x1x128xf32, #tpu.memory_space<vmem>> -> memref<1x128xf32, #tpu.memory_space<vmem>>
      %get3A_153 = arith.constant 0 : i32
      %get3A_154 = tpu.memref_slice %get3A_152[%get3A, %get3A_153] : memref<1x128xf32, #tpu.memory_space<vmem>> -> memref<1x128xf32, #tpu.memory_space<vmem>>
      %get3A_155 = tpu.memref_squeeze %get3A_154 : memref<1x128xf32, #tpu.memory_space<vmem>> -> memref<128xf32, #tpu.memory_space<vmem>>
      %get3A_156 = arith.constant 0 : index
      %get3A_157 = tpu.vector_load %get3A_155[%get3A_156] {strides = array<i32>} : memref<128xf32, #tpu.memory_space<vmem>>, vector<16xf32>,
      %get3A_158 = vector.shape_cast %get3A_157 : vector<16xf32> to vector<16xf32>
      %sub3A = arith.subf %get3A_158, %get3A_158 : vector<16xf32>
      %swap3A = arith.constant 0 : i32
      %swap3A_159 = arith.constant 0 : i32
      %swap3A_160 = arith.constant 0 : i32
      %swap3A_161 = tpu.memref_slice %arg8[%scan3A_148, %swap3A_159, %swap3A_160] : memref<200x1x128xf32, #tpu.memory_space<vmem>> -> memref<1x1x128xf32, #tpu.memory_space<vmem>>
      %swap3A_162 = tpu.memref_squeeze %swap3A_161 : memref<1x1x128xf32, #tpu.memory_space<vmem>> -> memref<1x128xf32, #tpu.memory_space<vmem>>
      %swap3A_163 = arith.constant 0 : i32
      %swap3A_164 = tpu.memref_slice %swap3A_162[%swap3A, %swap3A_163] : memref<1x128xf32, #tpu.memory_space<vmem>> -> memref<1x128xf32, #tpu.memory_space<vmem>>
      %swap3A_165 = tpu.memref_squeeze %swap3A_164 : memref<1x128xf32, #tpu.memory_space<vmem>> -> memref<128xf32, #tpu.memory_space<vmem>>
      %swap3A_166 = arith.constant 0 : index
      %swap3A_167 = tpu.vector_load %swap3A_165[%swap3A_166] {strides = array<i32>} : memref<128xf32, #tpu.memory_space<vmem>>, vector<16xf32>,
      %swap3A_168 = vector.shape_cast %swap3A_167 : vector<16xf32> to vector<16xf32>
      %swap3A_169 = vector.shape_cast %sub3A : vector<16xf32> to vector<16xf32>
      tpu.vector_store %swap3A_165[%swap3A_166], %swap3A_169 {strides = array<i32>} : memref<128xf32, #tpu.memory_space<vmem>>, vector<16xf32>,
      %get3A_170 = arith.constant 0 : i32
      %get3A_171 = arith.constant 0 : i32
      %get3A_172 = arith.constant 0 : i32
      %get3A_173 = tpu.memref_slice %arg8[%scan3A_148, %get3A_171, %get3A_172] : memref<200x1x128xf32, #tpu.memory_space<vmem>> -> memref<1x1x128xf32, #tpu.memory_space<vmem>>
      %get3A_174 = tpu.memref_squeeze %get3A_173 : memref<1x1x128xf32, #tpu.memory_space<vmem>> -> memref<1x128xf32, #tpu.memory_space<vmem>>
      %get3A_175 = arith.constant 0 : i32
      %get3A_176 = tpu.memref_slice %get3A_174[%get3A_170, %get3A_175] : memref<1x128xf32, #tpu.memory_space<vmem>> -> memref<1x128xf32, #tpu.memory_space<vmem>>
      %get3A_177 = tpu.memref_squeeze %get3A_176 : memref<1x128xf32, #tpu.memory_space<vmem>> -> memref<128xf32, #tpu.memory_space<vmem>>
      %get3A_178 = arith.constant 16 : index
      %get3A_179 = tpu.vector_load %get3A_177[%get3A_178] {strides = array<i32>} : memref<128xf32, #tpu.memory_space<vmem>>, vector<16xf32>,
      %get3A_180 = vector.shape_cast %get3A_179 : vector<16xf32> to vector<16xf32>
      %sub3A_181 = arith.subf %get3A_180, %get3A_180 : vector<16xf32>
      %swap3A_182 = arith.constant 0 : i32
      %swap3A_183 = arith.constant 0 : i32
      %swap3A_184 = arith.constant 0 : i32
      %swap3A_185 = tpu.memref_slice %arg8[%scan3A_148, %swap3A_183, %swap3A_184] : memref<200x1x128xf32, #tpu.memory_space<vmem>> -> memref<1x1x128xf32, #tpu.memory_space<vmem>>
      %swap3A_186 = tpu.memref_squeeze %swap3A_185 : memref<1x1x128xf32, #tpu.memory_space<vmem>> -> memref<1x128xf32, #tpu.memory_space<vmem>>
      %swap3A_187 = arith.constant 0 : i32
      %swap3A_188 = tpu.memref_slice %swap3A_186[%swap3A_182, %swap3A_187] : memref<1x128xf32, #tpu.memory_space<vmem>> -> memref<1x128xf32, #tpu.memory_space<vmem>>
      %swap3A_189 = tpu.memref_squeeze %swap3A_188 : memref<1x128xf32, #tpu.memory_space<vmem>> -> memref<128xf32, #tpu.memory_space<vmem>>
      %swap3A_190 = arith.constant 16 : index
      %swap3A_191 = tpu.vector_load %swap3A_189[%swap3A_190] {strides = array<i32>} : memref<128xf32, #tpu.memory_space<vmem>>, vector<16xf32>,
      %swap3A_192 = vector.shape_cast %swap3A_191 : vector<16xf32> to vector<16xf32>
      %swap3A_193 = vector.shape_cast %sub3A_181 : vector<16xf32> to vector<16xf32>
      tpu.vector_store %swap3A_189[%swap3A_190], %swap3A_193 {strides = array<i32>} : memref<128xf32, #tpu.memory_space<vmem>>, vector<16xf32>,
      %get3A_194 = arith.constant 0 : i32
      %get3A_195 = arith.constant 0 : i32
      %get3A_196 = arith.constant 0 : i32
      %get3A_197 = tpu.memref_slice %arg8[%scan3A_148, %get3A_195, %get3A_196] : memref<200x1x128xf32, #tpu.memory_space<vmem>> -> memref<1x1x128xf32, #tpu.memory_space<vmem>>
      %get3A_198 = tpu.memref_squeeze %get3A_197 : memref<1x1x128xf32, #tpu.memory_space<vmem>> -> memref<1x128xf32, #tpu.memory_space<vmem>>
      %get3A_199 = arith.constant 0 : i32
      %get3A_200 = tpu.memref_slice %get3A_198[%get3A_194, %get3A_199] : memref<1x128xf32, #tpu.memory_space<vmem>> -> memref<1x128xf32, #tpu.memory_space<vmem>>
      %get3A_201 = tpu.memref_squeeze %get3A_200 : memref<1x128xf32, #tpu.memory_space<vmem>> -> memref<128xf32, #tpu.memory_space<vmem>>
      %get3A_202 = arith.constant 32 : index
      %get3A_203 = tpu.vector_load %get3A_201[%get3A_202] {strides = array<i32>} : memref<128xf32, #tpu.memory_space<vmem>>, vector<16xf32>,
      %get3A_204 = vector.shape_cast %get3A_203 : vector<16xf32> to vector<16xf32>
      %sub3A_205 = arith.subf %get3A_204, %get3A_204 : vector<16xf32>
      %swap3A_206 = arith.constant 0 : i32
      %swap3A_207 = arith.constant 0 : i32
      %swap3A_208 = arith.constant 0 : i32
      %swap3A_209 = tpu.memref_slice %arg8[%scan3A_148, %swap3A_207, %swap3A_208] : memref<200x1x128xf32, #tpu.memory_space<vmem>> -> memref<1x1x128xf32, #tpu.memory_space<vmem>>
      %swap3A_210 = tpu.memref_squeeze %swap3A_209 : memref<1x1x128xf32, #tpu.memory_space<vmem>> -> memref<1x128xf32, #tpu.memory_space<vmem>>
      %swap3A_211 = arith.constant 0 : i32
      %swap3A_212 = tpu.memref_slice %swap3A_210[%swap3A_206, %swap3A_211] : memref<1x128xf32, #tpu.memory_space<vmem>> -> memref<1x128xf32, #tpu.memory_space<vmem>>
      %swap3A_213 = tpu.memref_squeeze %swap3A_212 : memref<1x128xf32, #tpu.memory_space<vmem>> -> memref<128xf32, #tpu.memory_space<vmem>>
      %swap3A_214 = arith.constant 32 : index
      %swap3A_215 = tpu.vector_load %swap3A_213[%swap3A_214] {strides = array<i32>} : memref<128xf32, #tpu.memory_space<vmem>>, vector<16xf32>,
      %swap3A_216 = vector.shape_cast %swap3A_215 : vector<16xf32> to vector<16xf32>
      %swap3A_217 = vector.shape_cast %sub3A_205 : vector<16xf32> to vector<16xf32>
      tpu.vector_store %swap3A_213[%swap3A_214], %swap3A_217 {strides = array<i32>} : memref<128xf32, #tpu.memory_space<vmem>>, vector<16xf32>,
      %get3A_218 = arith.constant 0 : i32
      %get3A_219 = arith.constant 0 : i32
      %get3A_220 = arith.constant 0 : i32
      %get3A_221 = tpu.memref_slice %arg8[%scan3A_148, %get3A_219, %get3A_220] : memref<200x1x128xf32, #tpu.memory_space<vmem>> -> memref<1x1x128xf32, #tpu.memory_space<vmem>>
      %get3A_222 = tpu.memref_squeeze %get3A_221 : memref<1x1x128xf32, #tpu.memory_space<vmem>> -> memref<1x128xf32, #tpu.memory_space<vmem>>
      %get3A_223 = arith.constant 0 : i32
      %get3A_224 = tpu.memref_slice %get3A_222[%get3A_218, %get3A_223] : memref<1x128xf32, #tpu.memory_space<vmem>> -> memref<1x128xf32, #tpu.memory_space<vmem>>
      %get3A_225 = tpu.memref_squeeze %get3A_224 : memref<1x128xf32, #tpu.memory_space<vmem>> -> memref<128xf32, #tpu.memory_space<vmem>>
      %get3A_226 = arith.constant 48 : index
      %get3A_227 = tpu.vector_load %get3A_225[%get3A_226] {strides = array<i32>} : memref<128xf32, #tpu.memory_space<vmem>>, vector<16xf32>,
      %get3A_228 = vector.shape_cast %get3A_227 : vector<16xf32> to vector<16xf32>
      %sub3A_229 = arith.subf %get3A_228, %get3A_228 : vector<16xf32>
      %swap3A_230 = arith.constant 0 : i32
      %swap3A_231 = arith.constant 0 : i32
      %swap3A_232 = arith.constant 0 : i32
      %swap3A_233 = tpu.memref_slice %arg8[%scan3A_148, %swap3A_231, %swap3A_232] : memref<200x1x128xf32, #tpu.memory_space<vmem>> -> memref<1x1x128xf32, #tpu.memory_space<vmem>>
      %swap3A_234 = tpu.memref_squeeze %swap3A_233 : memref<1x1x128xf32, #tpu.memory_space<vmem>> -> memref<1x128xf32, #tpu.memory_space<vmem>>
      %swap3A_235 = arith.constant 0 : i32
      %swap3A_236 = tpu.memref_slice %swap3A_234[%swap3A_230, %swap3A_235] : memref<1x128xf32, #tpu.memory_space<vmem>> -> memref<1x128xf32, #tpu.memory_space<vmem>>
      %swap3A_237 = tpu.memref_squeeze %swap3A_236 : memref<1x128xf32, #tpu.memory_space<vmem>> -> memref<128xf32, #tpu.memory_space<vmem>>
      %swap3A_238 = arith.constant 48 : index
      %swap3A_239 = tpu.vector_load %swap3A_237[%swap3A_238] {strides = array<i32>} : memref<128xf32, #tpu.memory_space<vmem>>, vector<16xf32>,
      %swap3A_240 = vector.shape_cast %swap3A_239 : vector<16xf32> to vector<16xf32>
      %swap3A_241 = vector.shape_cast %sub3A_229 : vector<16xf32> to vector<16xf32>
      tpu.vector_store %swap3A_237[%swap3A_238], %swap3A_241 {strides = array<i32>} : memref<128xf32, #tpu.memory_space<vmem>>, vector<16xf32>,
      %get3A_242 = arith.constant 0 : i32
      %get3A_243 = arith.constant 0 : i32
      %get3A_244 = arith.constant 0 : i32
      %get3A_245 = tpu.memref_slice %arg8[%scan3A_148, %get3A_243, %get3A_244] : memref<200x1x128xf32, #tpu.memory_space<vmem>> -> memref<1x1x128xf32, #tpu.memory_space<vmem>>
      %get3A_246 = tpu.memref_squeeze %get3A_245 : memref<1x1x128xf32, #tpu.memory_space<vmem>> -> memref<1x128xf32, #tpu.memory_space<vmem>>
      %get3A_247 = arith.constant 0 : i32
      %get3A_248 = tpu.memref_slice %get3A_246[%get3A_242, %get3A_247] : memref<1x128xf32, #tpu.memory_space<vmem>> -> memref<1x128xf32, #tpu.memory_space<vmem>>
      %get3A_249 = tpu.memref_squeeze %get3A_248 : memref<1x128xf32, #tpu.memory_space<vmem>> -> memref<128xf32, #tpu.memory_space<vmem>>
      %get3A_250 = arith.constant 64 : index
      %get3A_251 = tpu.vector_load %get3A_249[%get3A_250] {strides = array<i32>} : memref<128xf32, #tpu.memory_space<vmem>>, vector<16xf32>,
      %get3A_252 = vector.shape_cast %get3A_251 : vector<16xf32> to vector<16xf32>
      %sub3A_253 = arith.subf %get3A_252, %get3A_252 : vector<16xf32>
      %swap3A_254 = arith.constant 0 : i32
      %swap3A_255 = arith.constant 0 : i32
      %swap3A_256 = arith.constant 0 : i32
      %swap3A_257 = tpu.memref_slice %arg8[%scan3A_148, %swap3A_255, %swap3A_256] : memref<200x1x128xf32, #tpu.memory_space<vmem>> -> memref<1x1x128xf32, #tpu.memory_space<vmem>>
      %swap3A_258 = tpu.memref_squeeze %swap3A_257 : memref<1x1x128xf32, #tpu.memory_space<vmem>> -> memref<1x128xf32, #tpu.memory_space<vmem>>
      %swap3A_259 = arith.constant 0 : i32
      %swap3A_260 = tpu.memref_slice %swap3A_258[%swap3A_254, %swap3A_259] : memref<1x128xf32, #tpu.memory_space<vmem>> -> memref<1x128xf32, #tpu.memory_space<vmem>>
      %swap3A_261 = tpu.memref_squeeze %swap3A_260 : memref<1x128xf32, #tpu.memory_space<vmem>> -> memref<128xf32, #tpu.memory_space<vmem>>
      %swap3A_262 = arith.constant 64 : index
      %swap3A_263 = tpu.vector_load %swap3A_261[%swap3A_262] {strides = array<i32>} : memref<128xf32, #tpu.memory_space<vmem>>, vector<16xf32>,
      %swap3A_264 = vector.shape_cast %swap3A_263 : vector<16xf32> to vector<16xf32>
      %swap3A_265 = vector.shape_cast %sub3A_253 : vector<16xf32> to vector<16xf32>
      tpu.vector_store %swap3A_261[%swap3A_262], %swap3A_265 {strides = array<i32>} : memref<128xf32, #tpu.memory_space<vmem>>, vector<16xf32>,
      %get3A_266 = arith.constant 0 : i32
      %get3A_267 = arith.constant 0 : i32
      %get3A_268 = arith.constant 0 : i32
      %get3A_269 = tpu.memref_slice %arg8[%scan3A_148, %get3A_267, %get3A_268] : memref<200x1x128xf32, #tpu.memory_space<vmem>> -> memref<1x1x128xf32, #tpu.memory_space<vmem>>
      %get3A_270 = tpu.memref_squeeze %get3A_269 : memref<1x1x128xf32, #tpu.memory_space<vmem>> -> memref<1x128xf32, #tpu.memory_space<vmem>>
      %get3A_271 = arith.constant 0 : i32
      %get3A_272 = tpu.memref_slice %get3A_270[%get3A_266, %get3A_271] : memref<1x128xf32, #tpu.memory_space<vmem>> -> memref<1x128xf32, #tpu.memory_space<vmem>>
      %get3A_273 = tpu.memref_squeeze %get3A_272 : memref<1x128xf32, #tpu.memory_space<vmem>> -> memref<128xf32, #tpu.memory_space<vmem>>
      %get3A_274 = arith.constant 80 : index
      %get3A_275 = tpu.vector_load %get3A_273[%get3A_274] {strides = array<i32>} : memref<128xf32, #tpu.memory_space<vmem>>, vector<16xf32>,
      %get3A_276 = vector.shape_cast %get3A_275 : vector<16xf32> to vector<16xf32>
      %sub3A_277 = arith.subf %get3A_276, %get3A_276 : vector<16xf32>
      %swap3A_278 = arith.constant 0 : i32
      %swap3A_279 = arith.constant 0 : i32
      %swap3A_280 = arith.constant 0 : i32
      %swap3A_281 = tpu.memref_slice %arg8[%scan3A_148, %swap3A_279, %swap3A_280] : memref<200x1x128xf32, #tpu.memory_space<vmem>> -> memref<1x1x128xf32, #tpu.memory_space<vmem>>
      %swap3A_282 = tpu.memref_squeeze %swap3A_281 : memref<1x1x128xf32, #tpu.memory_space<vmem>> -> memref<1x128xf32, #tpu.memory_space<vmem>>
      %swap3A_283 = arith.constant 0 : i32
      %swap3A_284 = tpu.memref_slice %swap3A_282[%swap3A_278, %swap3A_283] : memref<1x128xf32, #tpu.memory_space<vmem>> -> memref<1x128xf32, #tpu.memory_space<vmem>>
      %swap3A_285 = tpu.memref_squeeze %swap3A_284 : memref<1x128xf32, #tpu.memory_space<vmem>> -> memref<128xf32, #tpu.memory_space<vmem>>
      %swap3A_286 = arith.constant 80 : index
      %swap3A_287 = tpu.vector_load %swap3A_285[%swap3A_286] {strides = array<i32>} : memref<128xf32, #tpu.memory_space<vmem>>, vector<16xf32>,
      %swap3A_288 = vector.shape_cast %swap3A_287 : vector<16xf32> to vector<16xf32>
      %swap3A_289 = vector.shape_cast %sub3A_277 : vector<16xf32> to vector<16xf32>
      tpu.vector_store %swap3A_285[%swap3A_286], %swap3A_289 {strides = array<i32>} : memref<128xf32, #tpu.memory_space<vmem>>, vector<16xf32>,
      %get3A_290 = arith.constant 0 : i32
      %get3A_291 = arith.constant 0 : i32
      %get3A_292 = arith.constant 0 : i32
      %get3A_293 = tpu.memref_slice %arg8[%scan3A_148, %get3A_291, %get3A_292] : memref<200x1x128xf32, #tpu.memory_space<vmem>> -> memref<1x1x128xf32, #tpu.memory_space<vmem>>
      %get3A_294 = tpu.memref_squeeze %get3A_293 : memref<1x1x128xf32, #tpu.memory_space<vmem>> -> memref<1x128xf32, #tpu.memory_space<vmem>>
      %get3A_295 = arith.constant 0 : i32
      %get3A_296 = tpu.memref_slice %get3A_294[%get3A_290, %get3A_295] : memref<1x128xf32, #tpu.memory_space<vmem>> -> memref<1x128xf32, #tpu.memory_space<vmem>>
      %get3A_297 = tpu.memref_squeeze %get3A_296 : memref<1x128xf32, #tpu.memory_space<vmem>> -> memref<128xf32, #tpu.memory_space<vmem>>
      %get3A_298 = arith.constant 96 : index
      %get3A_299 = tpu.vector_load %get3A_297[%get3A_298] {strides = array<i32>} : memref<128xf32, #tpu.memory_space<vmem>>, vector<16xf32>,
      %get3A_300 = vector.shape_cast %get3A_299 : vector<16xf32> to vector<16xf32>
      %sub3A_301 = arith.subf %get3A_300, %get3A_300 : vector<16xf32>
      %swap3A_302 = arith.constant 0 : i32
      %swap3A_303 = arith.constant 0 : i32
      %swap3A_304 = arith.constant 0 : i32
      %swap3A_305 = tpu.memref_slice %arg8[%scan3A_148, %swap3A_303, %swap3A_304] : memref<200x1x128xf32, #tpu.memory_space<vmem>> -> memref<1x1x128xf32, #tpu.memory_space<vmem>>
      %swap3A_306 = tpu.memref_squeeze %swap3A_305 : memref<1x1x128xf32, #tpu.memory_space<vmem>> -> memref<1x128xf32, #tpu.memory_space<vmem>>
      %swap3A_307 = arith.constant 0 : i32
      %swap3A_308 = tpu.memref_slice %swap3A_306[%swap3A_302, %swap3A_307] : memref<1x128xf32, #tpu.memory_space<vmem>> -> memref<1x128xf32, #tpu.memory_space<vmem>>
      %swap3A_309 = tpu.memref_squeeze %swap3A_308 : memref<1x128xf32, #tpu.memory_space<vmem>> -> memref<128xf32, #tpu.memory_space<vmem>>
      %swap3A_310 = arith.constant 96 : index
      %swap3A_311 = tpu.vector_load %swap3A_309[%swap3A_310] {strides = array<i32>} : memref<128xf32, #tpu.memory_space<vmem>>, vector<16xf32>,
      %swap3A_312 = vector.shape_cast %swap3A_311 : vector<16xf32> to vector<16xf32>
      %swap3A_313 = vector.shape_cast %sub3A_301 : vector<16xf32> to vector<16xf32>
      tpu.vector_store %swap3A_309[%swap3A_310], %swap3A_313 {strides = array<i32>} : memref<128xf32, #tpu.memory_space<vmem>>, vector<16xf32>,
      %get3A_314 = arith.constant 0 : i32
      %get3A_315 = arith.constant 0 : i32
      %get3A_316 = arith.constant 0 : i32
      %get3A_317 = tpu.memref_slice %arg8[%scan3A_148, %get3A_315, %get3A_316] : memref<200x1x128xf32, #tpu.memory_space<vmem>> -> memref<1x1x128xf32, #tpu.memory_space<vmem>>
      %get3A_318 = tpu.memref_squeeze %get3A_317 : memref<1x1x128xf32, #tpu.memory_space<vmem>> -> memref<1x128xf32, #tpu.memory_space<vmem>>
      %get3A_319 = arith.constant 0 : i32
      %get3A_320 = tpu.memref_slice %get3A_318[%get3A_314, %get3A_319] : memref<1x128xf32, #tpu.memory_space<vmem>> -> memref<1x128xf32, #tpu.memory_space<vmem>>
      %get3A_321 = tpu.memref_squeeze %get3A_320 : memref<1x128xf32, #tpu.memory_space<vmem>> -> memref<128xf32, #tpu.memory_space<vmem>>
      %get3A_322 = arith.constant 112 : index
      %get3A_323 = tpu.vector_load %get3A_321[%get3A_322] {strides = array<i32>} : memref<128xf32, #tpu.memory_space<vmem>>, vector<16xf32>,
      %get3A_324 = vector.shape_cast %get3A_323 : vector<16xf32> to vector<16xf32>
      %sub3A_325 = arith.subf %get3A_324, %get3A_324 : vector<16xf32>
      %swap3A_326 = arith.constant 0 : i32
      %swap3A_327 = arith.constant 0 : i32
      %swap3A_328 = arith.constant 0 : i32
      %swap3A_329 = tpu.memref_slice %arg8[%scan3A_148, %swap3A_327, %swap3A_328] : memref<200x1x128xf32, #tpu.memory_space<vmem>> -> memref<1x1x128xf32, #tpu.memory_space<vmem>>
      %swap3A_330 = tpu.memref_squeeze %swap3A_329 : memref<1x1x128xf32, #tpu.memory_space<vmem>> -> memref<1x128xf32, #tpu.memory_space<vmem>>
      %swap3A_331 = arith.constant 0 : i32
      %swap3A_332 = tpu.memref_slice %swap3A_330[%swap3A_326, %swap3A_331] : memref<1x128xf32, #tpu.memory_space<vmem>> -> memref<1x128xf32, #tpu.memory_space<vmem>>
      %swap3A_333 = tpu.memref_squeeze %swap3A_332 : memref<1x128xf32, #tpu.memory_space<vmem>> -> memref<128xf32, #tpu.memory_space<vmem>>
      %swap3A_334 = arith.constant 112 : index
      %swap3A_335 = tpu.vector_load %swap3A_333[%swap3A_334] {strides = array<i32>} : memref<128xf32, #tpu.memory_space<vmem>>, vector<16xf32>,
      %swap3A_336 = vector.shape_cast %swap3A_335 : vector<16xf32> to vector<16xf32>
      %swap3A_337 = vector.shape_cast %sub3A_325 : vector<16xf32> to vector<16xf32>
      tpu.vector_store %swap3A_333[%swap3A_334], %swap3A_337 {strides = array<i32>} : memref<128xf32, #tpu.memory_space<vmem>>, vector<16xf32>,
    }
    %scan3A_127 = arith.constant 200 : i32
    %add3A_128 = arith.constant 384 : i32
    %add3A_129 = arith.addi %mul3A_2, %add3A_128 : i32
    %dma_start3A_130 = arith.constant 0 : i32
    %dma_start3A_131 = arith.constant 0 : i32
    %dma_start3A_132 = tpu.memref_slice %arg4[%dma_start3A_130, %dma_start3A_131, %add3A_129] : memref<200x1x16384xf32, #tpu.memory_space<hbm>> -> memref<200x1x128xf32, #tpu.memory_space<hbm>>
    %dma_start3A_133 = arith.constant 0 : i32
    %dma_start3A_134 = arith.constant 0 : i32
    %dma_start3A_135 = tpu.memref_slice %arg4[%dma_start3A_133, %dma_start3A_134, %add3A_129] : memref<200x1x16384xf32, #tpu.memory_space<hbm>> -> memref<200x1x128xf32, #tpu.memory_space<hbm>>
    tpu.enqueue_dma source(%arg8 : memref<200x1x128xf32, #tpu.memory_space<vmem>>) target(%dma_start3A_135 : memref<200x1x128xf32, #tpu.memory_space<hbm>>) target_semaphore(%arg12 : memref<!tpu.dma_semaphore, #tpu.memory_space<semaphore_mem>>)
    %dma_wait3A_136 = arith.constant 0 : i32
    %dma_wait3A_137 = arith.constant 0 : i32
    %dma_wait3A_138 = tpu.memref_slice %arg4[%dma_wait3A_136, %dma_wait3A_137, %add3A_107] : memref<200x1x16384xf32, #tpu.memory_space<hbm>> -> memref<200x1x128xf32, #tpu.memory_space<hbm>>
    %dma_wait3A_139 = arith.constant 0 : i32
    %dma_wait3A_140 = arith.constant 0 : i32
    %dma_wait3A_141 = tpu.memref_slice %arg4[%dma_wait3A_139, %dma_wait3A_140, %add3A_107] : memref<200x1x16384xf32, #tpu.memory_space<hbm>> -> memref<200x1x128xf32, #tpu.memory_space<hbm>>
    tpu.wait_dma2 semaphore(%arg11 : memref<!tpu.dma_semaphore, #tpu.memory_space<semaphore_mem>>) src(%arg7 : memref<200x1x128xf32, #tpu.memory_space<vmem>>) dst(%dma_wait3A_141 : memref<200x1x128xf32, #tpu.memory_space<hbm>>)
    %dma_wait3A_142 = arith.constant 0 : i32
    %dma_wait3A_143 = arith.constant 0 : i32
    %dma_wait3A_144 = tpu.memref_slice %arg4[%dma_wait3A_142, %dma_wait3A_143, %add3A_129] : memref<200x1x16384xf32, #tpu.memory_space<hbm>> -> memref<200x1x128xf32, #tpu.memory_space<hbm>>
    %dma_wait3A_145 = arith.constant 0 : i32
    %dma_wait3A_146 = arith.constant 0 : i32
    %dma_wait3A_147 = tpu.memref_slice %arg4[%dma_wait3A_145, %dma_wait3A_146, %add3A_129] : memref<200x1x16384xf32, #tpu.memory_space<hbm>> -> memref<200x1x128xf32, #tpu.memory_space<hbm>>
    tpu.wait_dma2 semaphore(%arg12 : memref<!tpu.dma_semaphore, #tpu.memory_space<semaphore_mem>>) src(%arg8 : memref<200x1x128xf32, #tpu.memory_space<vmem>>) dst(%dma_wait3A_147 : memref<200x1x128xf32, #tpu.memory_space<hbm>>)
    return
  }
}

</mosaic_0001>

<sc_bundles>
// kernel: kernel.3.cloned.1.call-start
scs
__scs_entry_jumppad:
0x0: {  	(pc) =	sbr.rel $0x88, $3  }
0x1: {  	(tag) =	ssettag $0x0;
	lr =	simm.s32 $0x1  }
0x2: {  	[smem:$0x3F9F] =	sst lr;
	_ =	strace $0xD0000000  }
0x3: {  	_ = 	snop  }
0x4: {  	_ = 	snop  }
0x5: {  	_ = 	snop  }
0x6: {  	_ = 	snop  }
0x7: {  	_ = 	snop  }
__scs_overlays_trampoline_lowered:
0x8: {  	[smem:$0x3FAE] =	sst s0  }
0x9: {  	[smem:$0x3FAF] =	sst s1  }
0xa: {  	[smem:$0x3FB0] =	sst s2  }
0xb: {  	[smem:$0x3FB1] =	sst s3  }
0xc: {  	[smem:$0x3FB2] =	sst s4  }
0xd: {  	[smem:$0x3FB3] =	sst s5  }
0xe: {  	[smem:$0x3FB4] =	sst s6  }
0xf: {  	[smem:$0x3FB5] =	sst s7  }
0x10: {  	[smem:$0x3FB6] =	sst s8  }
0x11: {  	[smem:$0x3FB7] =	sst s9;
	s0 =	simm.s32 @!p0 $0x0  }
0x12: {  	s1 =	sld [smem:$0x3F9D];
	s0 =	simm.s32 @p0 $0x1  }
0x13: {  	[smem:$0x3FB8] =	sst s0;
	s0 =	simm.s32 @!p1 $0x0  }
0x14: {  	s2 =	sld [smem:$0x3F9C];
	s0 =	simm.s32 @p1 $0x1  }
0x15: {  	[smem:$0x3FB9] =	sst s0;
	s0 =	simm.s32 @!p2 $0x0  }
0x16: {  	s3 =	sld [smem:$0x3FDB];
	s0 =	simm.s32 @p2 $0x1  }
0x17: {  	s4 =	simm.s32 $0x1BF5;
	[smem:$0x3FBB] =	sst s0  }
0x18: {  	s0 =	sld [smem:$0x3F9E];
	_ =	swait.ge [sflag:s4], $0x0  }
0x19: {  	s7 =	sld [smem:$0x3F9F]  }
0x1a: {  	s8 =	sadd.s32 $0xFFFFE003, lr  }
0x1b: {  	s9 =	sadd.s32 $0xFFFFFEF7, lr;
	s5 =	simm.s32 $0xFFFFFFFF;
	p2 =	slt.u32 s8, $0xFFFFF086  }
0x1c: {  	p1 =	slt.u32 s9, $0xF7A;
	s5 =	simm.s32 @!p2 $0x0  }
0x1d: {  	s5 =	simm.s32 @p1 $0x1;
	p0 =	seq.s32 s7, s2  }
0x1e: {  	s7 =	smul.u32 @!p0 $0xF7A, s2;
	p2 =	seq.s32 @!p0 s5, $0x0  }
0x1f: {  	s9 =	smul.u32 $0xF7A, s1;
	s8 =	simm.s32 @!p0 $0x1BF5;
	p2 =	por !p2, p0  }
0x20: {  	[sflag:s8] =	ssyncset.s32 @!p0 $0xFFFFF086;
	s6 =	sadd.s32 @!p0 s3, s7;
	s7 =	simm.s32 @!p0 $0x108  }
0x21: {  	s3 =	sadd.s32 s3, s9;
	s6 =	sadd.s32 @!p0 $0x88, s6;
	s7 =	simm.s32 @p2 $0x1082  }
0x22: {  	[simem:s7], [sflag:s8] =	dma.local @!p0 [hbm:s6], $0xF7A  }
0x23: {  	s9 =	sor.u32 $0xD0000000, s2;
	s6 =	simm.s32 $0x108;
	_ =	swait.ge @!p0 [sflag:s8], $0x0  }
0x24: {  	s3 =	sadd.s32 $0x88, s3;
	s6 =	simm.s32 @!p1 $0x1082;
	[sflag:s4] =	ssyncset.s32 $0xFFFFF086  }
0x25: {  	[simem:s6], [sflag:s4] =	dma.local [hbm:s3], $0xF7A  }
0x26: {  	[smem:$0x3F9F] =	sst s1;
	(tag) =	ssettag s2;
	_ =	strace s9  }
0x27: {  	s1 =	sld [smem:$0x3FAF]  }
0x28: {  	s2 =	sld [smem:$0x3FB0]  }
0x29: {  	s4 =	sld [smem:$0x3FB2]  }
0x2a: {  	p0 =	seq.s32 s5, $0x0;
	s5 =	sld [smem:$0x3FB3]  }
0x2b: {  	s6 =	sld [smem:$0x3FB4]  }
0x2c: {  	s7 =	sld [smem:$0x3FB5]  }
0x2d: {  	s3 =	simm.s32 $0x108;
	s8 =	sld [smem:$0x3FB6]  }
0x2e: {  	s3 =	simm.s32 @!p0 $0x1082;
	s9 =	sld [smem:$0x3FB7]  }
0x2f: {  	lr =	sadd.s32 s0, s3;
	s0 =	sld [smem:$0x3FAE]  }
0x30: {  	s3 =	sld [smem:$0x3FB1]  }
0x31: {  	[smem:$0x3FBA] =	sst s10  }
0x32: {  	s10 =	sld [smem:$0x3FB8];
	_ =	sdelay $0x3  }
0x33: {  	p0 =	seq.s32 s10, $0x1;
	s10 =	sld [smem:$0x3FBA];
	_ =	sdelay $0x3  }
0x34: {  	[smem:$0x3FBA] =	sst s10  }
0x35: {  	s10 =	sld [smem:$0x3FB9];
	_ =	sdelay $0x3  }
0x36: {  	p1 =	seq.s32 s10, $0x1;
	s10 =	sld [smem:$0x3FBA];
	_ =	sdelay $0x3  }
0x37: {  	[smem:$0x3FBA] =	sst s10  }
0x38: {  	s10 =	sld [smem:$0x3FBB]  }
0x39: {  	_ = 	snop;
	(pc) =	sbr.ind lr, $3  }
0x3a: {  	_ = 	snop  }
0x3b: {  	_ = 	snop  }
0x3c: {  	p2 =	seq.s32 s10, $0x1;
	s10 =	sld [smem:$0x3FBA]  }
0x3d: {  	_ =	shalt  }
0x3e: {  	_ =	shalt  }
0x3f: {  	_ =	shalt  }
0x40: {  	_ =	shalt  }
0x41: {  	_ =	shalt  }
0x42: {  	_ =	shalt  }
0x43: {  	_ =	shalt  }
0x44: {  	_ =	shalt  }
0x45: {  	_ =	shalt  }
0x46: {  	_ =	shalt  }
0x47: {  	_ =	shalt  }
0x48: {  	_ =	shalt  }
0x49: {  	_ =	shalt  }
0x4a: {  	_ =	shalt  }
0x4b: {  	_ =	shalt  }
0x4c: {  	_ =	shalt  }
0x4d: {  	_ =	shalt  }
0x4e: {  	_ =	shalt  }
0x4f: {  	_ =	shalt  }
0x50: {  	_ =	shalt  }
0x51: {  	_ =	shalt  }
0x52: {  	_ =	shalt  }
0x53: {  	_ =	shalt  }
0x54: {  	_ =	shalt  }
0x55: {  	_ =	shalt  }
0x56: {  	_ =	shalt  }
0x57: {  	_ =	shalt  }
0x58: {  	_ =	shalt  }
0x59: {  	_ =	shalt  }
0x5a: {  	_ =	shalt  }
0x5b: {  	_ =	shalt  }
0x5c: {  	_ =	shalt  }
0x5d: {  	_ =	shalt  }
0x5e: {  	_ =	shalt  }
0x5f: {  	_ =	shalt  }
0x60: {  	_ =	shalt  }
0x61: {  	_ =	shalt  }
0x62: {  	_ =	shalt  }
0x63: {  	_ =	shalt  }
0x64: {  	_ =	shalt  }
0x65: {  	_ =	shalt  }
0x66: {  	_ =	shalt  }
0x67: {  	_ =	shalt  }
0x68: {  	_ =	shalt  }
0x69: {  	_ =	shalt  }
0x6a: {  	_ =	shalt  }
0x6b: {  	_ =	shalt  }
0x6c: {  	_ =	shalt  }
0x6d: {  	_ =	shalt  }
0x6e: {  	_ =	shalt  }
0x6f: {  	_ =	shalt  }
0x70: {  	_ =	shalt  }
0x71: {  	_ =	shalt  }
0x72: {  	_ =	shalt  }
0x73: {  	_ =	shalt  }
0x74: {  	_ =	shalt  }
0x75: {  	_ =	shalt  }
0x76: {  	_ =	shalt  }
0x77: {  	_ =	shalt  }
0x78: {  	_ =	shalt  }
0x79: {  	_ =	shalt  }
0x7a: {  	_ =	shalt  }
0x7b: {  	_ =	shalt  }
0x7c: {  	_ =	shalt  }
0x7d: {  	_ =	shalt  }
0x7e: {  	_ =	shalt  }
0x7f: {  	_ =	shalt  }
0x80: {  	_ =	shalt  }
0x81: {  	_ =	shalt  }
0x82: {  	_ =	shalt  }
0x83: {  	_ =	shalt  }
0x84: {  	_ =	shalt  }
0x85: {  	_ =	shalt  }
0x86: {  	_ =	shalt  }
0x87: {  	_ =	shalt  }
.Lfunc_end0:
.L_simem_size_0:
called_computation_lowered:
.L_overlay_start_0:
0x88: {  	s2 =	sld [smem:$0x3FD9]  }
0x89: {  	s3 =	sld [smem:$0x3FFE];
	_ =	sdelay $0x1  }
0x8a: {  	s1 =	srdreg.scid  }
0x8b: {  	s0 =	sand.u32 $0x1, s1  }
0x8c: {  	s18 =	sshll.u32 s0, $0xA;
	s2 =	sadd.s32 s3, s2  }
0x8d: {  	s2 =	sadd.s32 s2, s18  }
0x8e: {  	[smem:$0x3FC6] =	sst s2  }
0x8f: {  	_ = 	snop  }
0x90: {  	s2 =	sld [smem:$0x3FC9]  }
0x91: {  	s19 =	sld [smem:$0x3FC8]  }
0x92: {  	s4 =	sld [smem:$0x3FD0];
	(tm) =	ssettm $0x1  }
0x93: {  	s5 =	sld [smem:$0x3FFB];
	_ =	sdelay $0x3  }
0x94: {  	_ =	strace s5  }
0x95: {  	s5 =	sld [smem:$0x3FFC];
	_ =	sdelay $0x3  }
0x96: {  	_ =	strace s5  }
0x97: {  	s5 =	sld [smem:$0x3FFD];
	_ =	sdelay $0x3  }
0x98: {  	_ =	strace s5  }
0x99: {  	_ =	strace $0x8FFFFFFF  }
0x9a: {  	s20 =	sld [smem:$0x3FDB];
	_ =	sdelay $0x1  }
0x9b: {  	s6 =	simm.s32 $_scs_section_size  }
0x9c: {  	s7 =	simm.s32 $_size__tile_overlayer_lowered;
	s8 =	simm.s32 $_tile_overlayer_lowered  }
0x9d: {  	s23 =	simm.s32 $0x1BFF;
	s22 =	sshll.u32 s8, $0x1;
	s5 =	sadd.s32 s6, s20  }
0x9e: {  	s9 =	simm.s32 $0x0;
	s21 =	sshll.u32 s7, $0x1;
	s7 =	sadd.s32 s22, s5  }
0x9f: {  	[timem:s9], [sflag:s23] =	dma.local [hbm:s7], s21  }
0xa0: {  	_ =	swait.ge [sflag:s23], s21  }
0xa1: {  	s6 =	ssub.s32 $0x0, s21;
	[sflag:s23] =	ssyncset.done $0x0  }
0xa2: {  	[sflag:s23] =	ssyncadd.s32 s6;
	_ =	sdelay $0x1  }
0xa3: {  	s24 =	simm.s32 $0x1B8B  }
0xa4: {  	_ =	swait.ge [sflag:s24], $0x1  }
0xa5: {  	[sflag:s24] =	ssyncset.done $0x0  }
0xa6: {  	s25 =	simm.s32 $0x1B8E;
	[sflag:s24] =	ssyncadd.s32 $0xFFFFFFFF  }
0xa7: {  	s26 =	simm.s32 $execute0_lowered;
	[smem:$0x3FD2] =	sst s25  }
0xa8: {  	s6 =	sshll.u32 s26, $0x1;
	_ =	strace $0x80000046;
	[dreg:$0x1] =	wrdreg $0xFFFFFFFF  }
0xa9: {  	s28 =	simm.s32 $_size_execute0_lowered;
	s5 =	sadd.s32 s5, s6;
	[dreg:$0x0] =	wrdreg $0x0  }
0xaa: {  	s6 =	sshll.u32 s28, $0x1;
	[dreg:$0x2] =	wrdreg s5  }
0xab: {  	[dreg:$0x3] =	wrdreg s6  }
0xac: {  	[dreg:$0x4] =	wrdreg $0xC0  }
0xad: {  	_ =	task [dreg:s9], $0x5FFFF  }
0xae: {  	[dreg:$0x1] =	wrdreg $0xFFFFFFFF  }
0xaf: {  	[dreg:$0x0] =	wrdreg $0x60  }
0xb0: {  	[dreg:$0x2] =	wrdreg s2  }
0xb1: {  	[dreg:$0x3] =	wrdreg s19  }
0xb2: {  	[dreg:$0x4] =	wrdreg s4  }
0xb3: {  	[dreg:$0x5] =	wrdreg $0x9  }
0xb4: {  	_ =	task.clear_ibuf [dreg:s9], $0x6FFFF;
	_ =	strace $0x90000046  }
0xb5: {  	s29 =	simm.s32 $0x9;
	_ =	strace $0x80000048  }
0xb6: {  	_ =	swait.ge [sflag:s29], $0x1  }
0xb7: {  	[sflag:s29] =	ssyncadd.s32 $0xFFFFFFFF  }
0xb8: {  	_ =	strace $0x90000048  }
0xb9: {  	_ =	sfence  }
0xba: {  	s30 =	sld [smem:$0x0];
	_ =	sdelay $0x2  }
0xbb: {  	s31 =	sshll.u32 s1, $0xD;
	s1 =	sshrl.u32 s1, $0x2  }
0xbc: {  	s3 =	sand.u32 $0x4000, s31;
	s1 =	sadd.s32 s1, s30  }
0xbd: {  	s0 =	sor.u32 s3, s0;
	s1 =	sshll.u32 s1, $0x11  }
0xbe: {  	s0 =	sor.u32 s1, s0  }
0xbf: {  	s0 =	sadd.s32 $0x8F2B, s0  }
0xc0: {  	[sflag:s0] =	ssyncadd.remote.s32 $0x1  }
0xc1: {  	_ =	sfence.sel $0xFFFF  }
0xc2: {  	[dreg:$0x0] =	wrdreg $0xFFFFFFFF;
	(pc) =	sbr.abs _section_cstart, $3  }
0xc3: {  	[dreg:$0x1] =	wrdreg $0xFFFFFFFF  }
0xc4: {  	_ =	task.clear_ibuf [dreg:s9], $0x2FFFF;
	_ =	strace $0x9FFFFFFF  }
0xc5: {  	(tm) =	ssettm $0x7FFFFFFF  }
tec
execute0_lowered:
.L_overlay_start_1:
0x0: {  	(tag) =	ssettag $0x1  }
0x1: {  	s9 =	rddreg [dreg:$0x0]  }
0x2: {  	s2 =	rddreg [dreg:$0x1]  }
0x3: {  	s11 =	rddreg [dreg:$0x2];
	s3 =	srdreg.scid  }
0x4: {  	s0 =	rddreg [dreg:$0x3];
	s1 =	stileid.u32;
	s15 =	simm.s32 $0x5  }
0x5: {  	s16 =	simm.s32 $0x80;
	s17 =	simm.s32 $0x6400;
	s18 =	simm.s32 $0x1  }
0x6: {  	s19 =	simm.s32 $0x4000;
	s20 =	simm.s32 $0xC800;
	s21 =	simm.s32 $0x3  }
0x7: {  	s22 =	simm.s32 $0x2;
	s23 =	simm.s32 $0x12C00;
	s24 =	simm.s32 $0x4  }
0x8: {  	s25 =	simm.s32 $0x0;
	s4 =	sand.u32 $0x1, s3;
	s3 =	simm.s32 $0x0  }
0x9: {  	s5 =	sshll.u32 s1, $0xA;
	s6 =	sshll.u32 s4, $0x9;
	s4 =	ssub.s32 $0x2, s4  }
0xa: {  	[smem:$0x7FF] =	sst s3;
	s5 =	sor.u32 s6, s5;
	s26 =	sshrl.u32 s4, $0x1  }
0xb: {  	_ =	strace $0x80000047;
	s8 =	sshrl.u32 s5, $0x7;
	s12 =	ssub.s32 s4, s26  }
0xc: {  	s4 =	sadd.s32 s9, s5;
	s7 =	sshrl.u32 s5, $0x3;
	s10 =	sor.u32 $0x1, s8  }
0xd: {  	s13 =	sor.u32 $0x2, s8;
	s6 =	sadd.s32 s11, s7;
	s14 =	sor.u32 $0x3, s8  }
0xe: {  	s12 =	smax.u32 s12, $0x1;
	s28 =	sshll.u32 s10, $0x7;
	s29 =	sshll.u32 s13, $0x7  }
0xf: {  	s10 =	sshll.u32 s10, $0x4;
	s30 =	sshll.u32 s14, $0x7;
	s13 =	sshll.u32 s13, $0x4  }
0x10: {  	s31 =	sshll.u32 s14, $0x4;
	s14 =	simm.s32 $0x20000;
	s5 =	sadd.s32 s9, s28  }
0x11: {  	s7 =	sadd.s32 s9, s29;
	s8 =	sadd.s32 s11, s10;
	s9 =	sadd.s32 s9, s30  }
0x12: {  	s10 =	sadd.s32 s11, s13;
	s11 =	sadd.s32 s11, s31;
	s13 =	simm.s32 $0x400  }
.LBB2_1:
0x13: {  	[tilespmem:s3], [sflag:$0x5] =	stream.strided.gather [hbm4b:s4+s13], $0x6400, s14, s13, $0x38;
	[tilespmem:$0x19000] =	vst v63  }
0x14: {  	_ =	swait.ge [sflag:s15], $0x6400  }
0x15: {  	s26 =	simm.s32 $0x200;
	[sflag:s15] =	ssyncset.done $0x0  }
0x16: {  	s28 =	simm.s32 $0x0;
	s29 =	simm.s32 $0xC800;
	[sflag:s15] =	ssyncadd.s32 $0xFFFF9C00  }
.LBB2_2:
0x17: {  	[tilespmem:s29], [sflag:$0x1] =	stream.indirect.gather [hbm4b:s2+s16], $0x1, s28, s16, $0xb8;
	[tilespmem:$0x19000] =	vst v63  }
0x18: {  	s28 =	smov.u32 s26;
	p0 =	sne.s32 s26, $0x18E00  }
.Ltmp0:
0x19: {  	s26 =	sadd.s32 $0x200, s26;
	(pc) =	sbr.rel @p0 .LBB2_2-.Ltmp0, $3  }
0x1a: {  	_ =	sdelay $0x1  }
0x1b: {  	s28 =	sshra.s32 s28, $0x2  }
0x1c: {  	s29 =	sadd.s32 $0xC800, s28  }
0x1d: {  	[tilespmem:s29], [sflag:$0x1] =	stream.indirect.gather [hbm4b:s2+s16], $0x1, s28, s16, $0xb8;
	[tilespmem:$0x19000] =	vst v63  }
0x1e: {  	_ = 	snop  }
0x1f: {  	[tilespmem:s17], [sflag:$0x5] =	stream.strided.gather [hbm4b:s5+s13], $0x6400, s14, s13, $0x38;
	[tilespmem:$0x19000] =	vst v63  }
0x20: {  	_ =	swait.ge [sflag:s15], $0x6400  }
0x21: {  	s26 =	simm.s32 $0x200;
	[sflag:s15] =	ssyncset.done $0x0  }
0x22: {  	s28 =	simm.s32 $0x12C00;
	s29 =	simm.s32 $0x6400;
	[sflag:s15] =	ssyncadd.s32 $0xFFFF9C00  }
.LBB2_4:
0x23: {  	[tilespmem:s28], [sflag:$0x2] =	stream.indirect.gather [hbm4b:s2+s16], $0x1, s29, s16, $0xb8;
	[tilespmem:$0x19000] =	vst v63  }
0x24: {  	s28 =	smov.u32 s26;
	p0 =	sne.s32 s26, $0x18E00  }
.Ltmp1:
0x25: {  	s26 =	sadd.s32 $0x200, s26;
	(pc) =	sbr.rel @p0 .LBB2_4-.Ltmp1, $3  }
0x26: {  	_ =	sdelay $0x1  }
0x27: {  	s29 =	sshra.s32 s28, $0x2  }
0x28: {  	s28 =	sadd.s32 $0x12C00, s29;
	s29 =	sadd.s32 $0x6400, s29  }
0x29: {  	[tilespmem:s28], [sflag:$0x2] =	stream.indirect.gather [hbm4b:s2+s16], $0x1, s29, s16, $0xb8;
	[tilespmem:$0x19000] =	vst v63  }
0x2a: {  	_ =	swait.ge [sflag:s18], $0x6400  }
0x2b: {  	[sflag:s18] =	ssyncset.done $0x0  }
0x2c: {  	s26 =	simm.s32 $0x0;
	[sflag:s18] =	ssyncadd.s32 $0xFFFF9C00  }
0x2d: {  	v3 =	vld [tilespmem:s26+$0xC800]  }
0x2e: {  	v5 =	vld [tilespmem:s26+$0xC810]  }
0x2f: {  	v4 =	vld [tilespmem:s26+$0xC820]  }
0x30: {  	v2 =	vld [tilespmem:s26+$0xC830]  }
0x31: {  	v0 =	vld [tilespmem:s26+$0xC840]  }
0x32: {  	v1 =	vld [tilespmem:s26+$0xC850];
	v6 =	vsub.f32 v3, v3  }
0x33: {  	s28 =	simm.s32 $0x200;
	v5 =	vsub.f32 v5, v5;
	v3 =	vld [tilespmem:s26+$0xC860]  }
.LBB2_6:
0x34: {  	s29 =	sshra.s32 s28, $0x2;
	p0 =	sne.s32 s28, $0x18E00;
	[tilespmem:s26+$0xC800] =	vst v6;
	v4 =	vsub.f32 v4, v4;
	v6 =	vld [tilespmem:s26+$0xC870]  }
0x35: {  	v7 =	vld [tilespmem:s29+$0xC800];
	[tilespmem:s26+$0xC810] =	vst v5;
	v2 =	vsub.f32 v2, v2  }
0x36: {  	v5 =	vld [tilespmem:s29+$0xC810];
	[tilespmem:s26+$0xC820] =	vst v4;
	v0 =	vsub.f32 v0, v0  }
.Ltmp2:
0x37: {  	v4 =	vld [tilespmem:s29+$0xC820];
	[tilespmem:s26+$0xC830] =	vst v2;
	v1 =	vsub.f32 v1, v1;
	(pc) =	sbr.rel @p0 .LBB2_6-.Ltmp2, $4  }
0x38: {  	v2 =	vld [tilespmem:s29+$0xC830];
	[tilespmem:s26+$0xC840] =	vst v0;
	v3 =	vsub.f32 v3, v3  }
0x39: {  	v0 =	vld [tilespmem:s29+$0xC840];
	[tilespmem:s26+$0xC850] =	vst v1;
	v8 =	vsub.f32 v6, v6  }
0x3a: {  	v6 =	vsub.f32 v7, v7;
	v1 =	vld [tilespmem:s29+$0xC850];
	[tilespmem:s26+$0xC860] =	vst v3  }
0x3b: {  	s28 =	sadd.s32 $0x200, s28;
	v5 =	vsub.f32 v5, v5;
	v3 =	vld [tilespmem:s29+$0xC860];
	[tilespmem:s26+$0xC870] =	vst v8;
	s26 =	smov.u32 s29  }
0x3c: {  	[tilespmem:s26+$0xC800] =	vst v6;
	v4 =	vsub.f32 v4, v4;
	v61 =	vld [tilespmem:s26+$0xC870]  }
0x3d: {  	[tilespmem:s26+$0xC810] =	vst v5;
	v2 =	vsub.f32 v2, v2  }
0x3e: {  	[tilespmem:s26+$0xC820] =	vst v4;
	v0 =	vsub.f32 v0, v0  }
0x3f: {  	[tilespmem:s26+$0xC830] =	vst v2;
	v1 =	vsub.f32 v1, v1  }
0x40: {  	[tilespmem:s26+$0xC840] =	vst v0;
	v62 =	vsub.f32 v3, v3  }
0x41: {  	[tilespmem:s26+$0xC850] =	vst v1;
	v63 =	vsub.f32 v61, v61  }
0x42: {  	[tilespmem:s26+$0xC860] =	vst v62  }
0x43: {  	[tilespmem:s26+$0xC870] =	vst v63  }
0x44: {  	[hbm4b:s6+s16] =	stream.strided.scatter [tilespmem:s20], [sflag:$0x3], $0x6400, s19, s16, $0x38;
	[tilespmem:$0x19000] =	vst v63  }
0x45: {  	_ =	swait.ge [sflag:s21], $0x6400  }
0x46: {  	[sflag:s21] =	ssyncset.done $0x0  }
0x47: {  	s31 =	simm.s32 $0x0;
	[sflag:s21] =	ssyncadd.s32 $0xFFFF9C00  }
0x48: {  	[tilespmem:s31], [sflag:$0x5] =	stream.strided.gather [hbm4b:s7+s13], $0x6400, s14, s13, $0x38;
	[tilespmem:$0x19000] =	vst v63  }
0x49: {  	_ =	swait.ge [sflag:s15], $0x6400  }
0x4a: {  	s28 =	simm.s32 $0x0;
	[sflag:s15] =	ssyncset.done $0x0  }
0x4b: {  	s29 =	simm.s32 $0xC800;
	s26 =	simm.s32 $0x200;
	[sflag:s15] =	ssyncadd.s32 $0xFFFF9C00  }
.LBB2_8:
0x4c: {  	[tilespmem:s29], [sflag:$0x1] =	stream.indirect.gather [hbm4b:s2+s16], $0x1, s28, s16, $0xb8;
	[tilespmem:$0x19000] =	vst v63  }
0x4d: {  	s28 =	smov.u32 s26;
	p0 =	sne.s32 s26, $0x18E00  }
.Ltmp3:
0x4e: {  	s26 =	sadd.s32 $0x200, s26;
	(pc) =	sbr.rel @p0 .LBB2_8-.Ltmp3, $3  }
0x4f: {  	_ =	sdelay $0x1  }
0x50: {  	s28 =	sshra.s32 s28, $0x2  }
0x51: {  	s29 =	sadd.s32 $0xC800, s28  }
0x52: {  	[tilespmem:s29], [sflag:$0x1] =	stream.indirect.gather [hbm4b:s2+s16], $0x1, s28, s16, $0xb8;
	[tilespmem:$0x19000] =	vst v63  }
0x53: {  	_ =	swait.ge [sflag:s22], $0x6400  }
0x54: {  	[sflag:s22] =	ssyncset.done $0x0  }
0x55: {  	s26 =	simm.s32 $0x0;
	[sflag:s22] =	ssyncadd.s32 $0xFFFF9C00  }
0x56: {  	v3 =	vld [tilespmem:s26+$0x12C00]  }
0x57: {  	v5 =	vld [tilespmem:s26+$0x12C10]  }
0x58: {  	v4 =	vld [tilespmem:s26+$0x12C20]  }
0x59: {  	v2 =	vld [tilespmem:s26+$0x12C30]  }
0x5a: {  	v0 =	vld [tilespmem:s26+$0x12C40]  }
0x5b: {  	v1 =	vld [tilespmem:s26+$0x12C50];
	v6 =	vsub.f32 v3, v3  }
0x5c: {  	s28 =	simm.s32 $0x200;
	v5 =	vsub.f32 v5, v5;
	v3 =	vld [tilespmem:s26+$0x12C60]  }
.LBB2_10:
0x5d: {  	s29 =	sshra.s32 s28, $0x2;
	p0 =	sne.s32 s28, $0x18E00;
	[tilespmem:s26+$0x12C00] =	vst v6;
	v4 =	vsub.f32 v4, v4;
	v6 =	vld [tilespmem:s26+$0x12C70]  }
0x5e: {  	v7 =	vld [tilespmem:s29+$0x12C00];
	[tilespmem:s26+$0x12C10] =	vst v5;
	v2 =	vsub.f32 v2, v2  }
0x5f: {  	v5 =	vld [tilespmem:s29+$0x12C10];
	[tilespmem:s26+$0x12C20] =	vst v4;
	v0 =	vsub.f32 v0, v0  }
.Ltmp4:
0x60: {  	v4 =	vld [tilespmem:s29+$0x12C20];
	[tilespmem:s26+$0x12C30] =	vst v2;
	v1 =	vsub.f32 v1, v1;
	(pc) =	sbr.rel @p0 .LBB2_10-.Ltmp4, $4  }
0x61: {  	v2 =	vld [tilespmem:s29+$0x12C30];
	[tilespmem:s26+$0x12C40] =	vst v0;
	v3 =	vsub.f32 v3, v3  }
0x62: {  	v0 =	vld [tilespmem:s29+$0x12C40];
	[tilespmem:s26+$0x12C50] =	vst v1;
	v8 =	vsub.f32 v6, v6  }
0x63: {  	v6 =	vsub.f32 v7, v7;
	v1 =	vld [tilespmem:s29+$0x12C50];
	[tilespmem:s26+$0x12C60] =	vst v3  }
0x64: {  	s28 =	sadd.s32 $0x200, s28;
	v5 =	vsub.f32 v5, v5;
	v3 =	vld [tilespmem:s29+$0x12C60];
	[tilespmem:s26+$0x12C70] =	vst v8;
	s26 =	smov.u32 s29  }
0x65: {  	[tilespmem:s26+$0x12C00] =	vst v6;
	v4 =	vsub.f32 v4, v4;
	v61 =	vld [tilespmem:s26+$0x12C70]  }
0x66: {  	[tilespmem:s26+$0x12C10] =	vst v5;
	v2 =	vsub.f32 v2, v2  }
0x67: {  	[tilespmem:s26+$0x12C20] =	vst v4;
	v0 =	vsub.f32 v0, v0  }
0x68: {  	[tilespmem:s26+$0x12C30] =	vst v2;
	v1 =	vsub.f32 v1, v1  }
0x69: {  	[tilespmem:s26+$0x12C40] =	vst v0;
	v62 =	vsub.f32 v3, v3  }
0x6a: {  	[tilespmem:s26+$0x12C50] =	vst v1;
	v63 =	vsub.f32 v61, v61  }
0x6b: {  	[tilespmem:s26+$0x12C60] =	vst v62  }
0x6c: {  	[tilespmem:s26+$0x12C70] =	vst v63  }
0x6d: {  	[hbm4b:s8+s16] =	stream.strided.scatter [tilespmem:s23], [sflag:$0x4], $0x6400, s19, s16, $0x38;
	[tilespmem:$0x19000] =	vst v63  }
0x6e: {  	_ =	swait.ge [sflag:s24], $0x6400  }
0x6f: {  	[sflag:s24] =	ssyncset.done $0x0  }
0x70: {  	[sflag:s24] =	ssyncadd.s32 $0xFFFF9C00  }
0x71: {  	[tilespmem:s17], [sflag:$0x5] =	stream.strided.gather [hbm4b:s9+s13], $0x6400, s14, s13, $0x38;
	[tilespmem:$0x19000] =	vst v63  }
0x72: {  	_ =	swait.ge [sflag:s15], $0x6400  }
0x73: {  	s28 =	simm.s32 $0x12C00;
	[sflag:s15] =	ssyncset.done $0x0  }
0x74: {  	s29 =	simm.s32 $0x6400;
	s26 =	simm.s32 $0x200;
	[sflag:s15] =	ssyncadd.s32 $0xFFFF9C00  }
.LBB2_12:
0x75: {  	[tilespmem:s28], [sflag:$0x2] =	stream.indirect.gather [hbm4b:s2+s16], $0x1, s29, s16, $0xb8;
	[tilespmem:$0x19000] =	vst v63  }
0x76: {  	s28 =	smov.u32 s26;
	p0 =	sne.s32 s26, $0x18E00  }
.Ltmp5:
0x77: {  	s26 =	sadd.s32 $0x200, s26;
	(pc) =	sbr.rel @p0 .LBB2_12-.Ltmp5, $3  }
0x78: {  	_ =	sdelay $0x1  }
0x79: {  	s29 =	sshra.s32 s28, $0x2  }
0x7a: {  	s28 =	sadd.s32 $0x12C00, s29;
	s29 =	sadd.s32 $0x6400, s29  }
0x7b: {  	[tilespmem:s28], [sflag:$0x2] =	stream.indirect.gather [hbm4b:s2+s16], $0x1, s29, s16, $0xb8;
	[tilespmem:$0x19000] =	vst v63  }
0x7c: {  	_ =	swait.ge [sflag:s18], $0x6400  }
0x7d: {  	[sflag:s18] =	ssyncset.done $0x0  }
0x7e: {  	s26 =	simm.s32 $0x0;
	[sflag:s18] =	ssyncadd.s32 $0xFFFF9C00  }
0x7f: {  	v3 =	vld [tilespmem:s26+$0xC800]  }
0x80: {  	v5 =	vld [tilespmem:s26+$0xC810]  }
0x81: {  	v4 =	vld [tilespmem:s26+$0xC820]  }
0x82: {  	v2 =	vld [tilespmem:s26+$0xC830]  }
0x83: {  	v0 =	vld [tilespmem:s26+$0xC840]  }
0x84: {  	v1 =	vld [tilespmem:s26+$0xC850];
	v6 =	vsub.f32 v3, v3  }
0x85: {  	s28 =	simm.s32 $0x200;
	v5 =	vsub.f32 v5, v5;
	v3 =	vld [tilespmem:s26+$0xC860]  }
.LBB2_14:
0x86: {  	s29 =	sshra.s32 s28, $0x2;
	p0 =	sne.s32 s28, $0x18E00;
	[tilespmem:s26+$0xC800] =	vst v6;
	v4 =	vsub.f32 v4, v4;
	v6 =	vld [tilespmem:s26+$0xC870]  }
0x87: {  	v7 =	vld [tilespmem:s29+$0xC800];
	[tilespmem:s26+$0xC810] =	vst v5;
	v2 =	vsub.f32 v2, v2  }
0x88: {  	v5 =	vld [tilespmem:s29+$0xC810];
	[tilespmem:s26+$0xC820] =	vst v4;
	v0 =	vsub.f32 v0, v0  }
.Ltmp6:
0x89: {  	v4 =	vld [tilespmem:s29+$0xC820];
	[tilespmem:s26+$0xC830] =	vst v2;
	v1 =	vsub.f32 v1, v1;
	(pc) =	sbr.rel @p0 .LBB2_14-.Ltmp6, $4  }
0x8a: {  	v2 =	vld [tilespmem:s29+$0xC830];
	[tilespmem:s26+$0xC840] =	vst v0;
	v3 =	vsub.f32 v3, v3  }
0x8b: {  	v0 =	vld [tilespmem:s29+$0xC840];
	[tilespmem:s26+$0xC850] =	vst v1;
	v8 =	vsub.f32 v6, v6  }
0x8c: {  	v6 =	vsub.f32 v7, v7;
	v1 =	vld [tilespmem:s29+$0xC850];
	[tilespmem:s26+$0xC860] =	vst v3  }
0x8d: {  	s28 =	sadd.s32 $0x200, s28;
	v5 =	vsub.f32 v5, v5;
	v3 =	vld [tilespmem:s29+$0xC860];
	[tilespmem:s26+$0xC870] =	vst v8;
	s26 =	smov.u32 s29  }
0x8e: {  	[tilespmem:s26+$0xC800] =	vst v6;
	v4 =	vsub.f32 v4, v4;
	v6 =	vld [tilespmem:s26+$0xC870]  }
0x8f: {  	[tilespmem:s26+$0xC810] =	vst v5;
	v2 =	vsub.f32 v2, v2  }
0x90: {  	[tilespmem:s26+$0xC820] =	vst v4;
	v0 =	vsub.f32 v0, v0  }
0x91: {  	[tilespmem:s26+$0xC830] =	vst v2;
	v1 =	vsub.f32 v1, v1  }
0x92: {  	[tilespmem:s26+$0xC840] =	vst v0;
	v0 =	vsub.f32 v3, v3  }
0x93: {  	[tilespmem:s26+$0xC850] =	vst v1;
	v1 =	vsub.f32 v6, v6  }
0x94: {  	[tilespmem:s26+$0xC860] =	vst v0  }
0x95: {  	[tilespmem:s26+$0xC870] =	vst v1  }
0x96: {  	[hbm4b:s10+s16] =	stream.strided.scatter [tilespmem:s20], [sflag:$0x3], $0x6400, s19, s16, $0x38;
	[tilespmem:$0x19000] =	vst v63  }
0x97: {  	_ =	swait.ge [sflag:s22], $0x6400  }
0x98: {  	[sflag:s22] =	ssyncset.done $0x0  }
0x99: {  	s26 =	simm.s32 $0x0;
	[sflag:s22] =	ssyncadd.s32 $0xFFFF9C00  }
0x9a: {  	v3 =	vld [tilespmem:s26+$0x12C00]  }
0x9b: {  	v5 =	vld [tilespmem:s26+$0x12C10]  }
0x9c: {  	v4 =	vld [tilespmem:s26+$0x12C20]  }
0x9d: {  	v2 =	vld [tilespmem:s26+$0x12C30]  }
0x9e: {  	v0 =	vld [tilespmem:s26+$0x12C40]  }
0x9f: {  	v1 =	vld [tilespmem:s26+$0x12C50];
	v6 =	vsub.f32 v3, v3  }
0xa0: {  	s28 =	simm.s32 $0x200;
	v5 =	vsub.f32 v5, v5;
	v3 =	vld [tilespmem:s26+$0x12C60]  }
.LBB2_16:
0xa1: {  	s29 =	sshra.s32 s28, $0x2;
	p0 =	sne.s32 s28, $0x18E00;
	[tilespmem:s26+$0x12C00] =	vst v6;
	v4 =	vsub.f32 v4, v4;
	v6 =	vld [tilespmem:s26+$0x12C70]  }
0xa2: {  	v7 =	vld [tilespmem:s29+$0x12C00];
	[tilespmem:s26+$0x12C10] =	vst v5;
	v2 =	vsub.f32 v2, v2  }
0xa3: {  	v5 =	vld [tilespmem:s29+$0x12C10];
	[tilespmem:s26+$0x12C20] =	vst v4;
	v0 =	vsub.f32 v0, v0  }
.Ltmp7:
0xa4: {  	v4 =	vld [tilespmem:s29+$0x12C20];
	[tilespmem:s26+$0x12C30] =	vst v2;
	v1 =	vsub.f32 v1, v1;
	(pc) =	sbr.rel @p0 .LBB2_16-.Ltmp7, $4  }
0xa5: {  	v2 =	vld [tilespmem:s29+$0x12C30];
	[tilespmem:s26+$0x12C40] =	vst v0;
	v3 =	vsub.f32 v3, v3  }
0xa6: {  	v0 =	vld [tilespmem:s29+$0x12C40];
	[tilespmem:s26+$0x12C50] =	vst v1;
	v8 =	vsub.f32 v6, v6  }
0xa7: {  	v6 =	vsub.f32 v7, v7;
	v1 =	vld [tilespmem:s29+$0x12C50];
	[tilespmem:s26+$0x12C60] =	vst v3  }
0xa8: {  	s28 =	sadd.s32 $0x200, s28;
	v5 =	vsub.f32 v5, v5;
	v3 =	vld [tilespmem:s29+$0x12C60];
	[tilespmem:s26+$0x12C70] =	vst v8;
	s26 =	smov.u32 s29  }
0xa9: {  	[tilespmem:s26+$0x12C00] =	vst v6;
	v4 =	vsub.f32 v4, v4;
	v61 =	vld [tilespmem:s26+$0x12C70]  }
0xaa: {  	[tilespmem:s26+$0x12C10] =	vst v5;
	v2 =	vsub.f32 v2, v2  }
0xab: {  	[tilespmem:s26+$0x12C20] =	vst v4;
	v0 =	vsub.f32 v0, v0  }
0xac: {  	[tilespmem:s26+$0x12C30] =	vst v2;
	v1 =	vsub.f32 v1, v1  }
0xad: {  	[tilespmem:s26+$0x12C40] =	vst v0;
	v62 =	vsub.f32 v3, v3  }
0xae: {  	[tilespmem:s26+$0x12C50] =	vst v1;
	v63 =	vsub.f32 v61, v61  }
0xaf: {  	[tilespmem:s26+$0x12C60] =	vst v62  }
0xb0: {  	s25 =	sadd.s32 $0x1, s25;
	[tilespmem:s26+$0x12C70] =	vst v63  }
0xb1: {  	[hbm4b:s11+s16] =	stream.strided.scatter [tilespmem:s23], [sflag:$0x4], $0x6400, s19, s16, $0x38;
	[tilespmem:$0x19000] =	vst v63  }
0xb2: {  	p0 =	sne.s32 s25, s12;
	_ =	swait.ge [sflag:s21], $0x6400  }
.Ltmp8:
0xb3: {  	[sflag:s21] =	ssyncset.done $0x0;
	(pc) =	sbr.rel @p0 .LBB2_1-.Ltmp8, $4  }
0xb4: {  	[sflag:s21] =	ssyncadd.s32 $0xFFFF9C00  }
0xb5: {  	_ =	swait.ge [sflag:s24], $0x6400  }
0xb6: {  	[sflag:s24] =	ssyncset.done $0x0  }
0xb7: {  	[sflag:s24] =	ssyncadd.s32 $0xFFFF9C00  }
0xb8: {  	_ =	sfence.sel $0x180000  }
0xb9: {  	[bflag:$0x0] =	sbarrier.arrive $0xFFFF  }
0xba: {  	p0 =	sne.s32 s1, $0x0;
	_ =	strace $0x90000047  }
0xbb: {  	s0 =	sadd.s32 @!p0 $0x100000, s0;
	[bflag:$0x2] =	sbarrier.arrive $0xFFFF  }
0xbc: {  	[sflag:s0] =	ssyncadd.tile.s32 @!p0 $0x1;
	_ =	shalt  }
.Lfunc_end2:
_tile_overlayer_lowered:
.L_overlay_start_2:
0xbd: {  	(tag) =	ssettag $0x2  }
0xbe: {  	s0 =	rddreg [dreg:$0x0];
	s2 =	stileid.u32  }
0xbf: {  	s1 =	rddreg [dreg:$0x1];
	p0 =	sne.s32 s2, $0x0  }
0xc0: {  	s3 =	rddreg [dreg:$0x2];
	[bflag:$0x3] =	sbarrier.arrive $0xFFFF;
	s2 =	simm.s32 @!p0 $0x1C05  }
0xc1: {  	[timem:s3], [sflag:s2] =	dma.local @!p0 [hbm:s0], s1  }
0xc2: {  	s0 =	simm.s32 @!p0 $0x5  }
0xc3: {  	_ =	swait.ge @!p0 [sflag:s0], s1  }
0xc4: {  	s1 =	ssub.s32 @!p0 $0x0, s1;
	[sflag:s0] =	ssyncset.done @!p0 $0x0  }
0xc5: {  	[sflag:s0] =	ssyncadd.s32 @!p0 s1  }
0xc6: {  	[bflag:$0x3] =	sbarrier.arrive $0xFFFF  }
0xc7: {  	_ =	shalt  }

</sc_bundles>
